<compile_context>
chip_gen: v7x
topology: tpu7x:2x2x1
jax: 0.10.2.dev20260603
libtpu: 0.0.44.dev20260713+nightly
codegen_flags: <defaults>
</compile_context>

<pallas_src>
import functools

import jax
import jax.numpy as jnp
from jax import lax
from jax.experimental import pallas as pl
from jax.experimental.pallas import tpu as pltpu
from jax.experimental.pallas import tpu_sc as plsc

DIM = 128
SAMP = 4096
SEQ = 50
SEQP = 56
NC = 2
NS = 16
NW = NC * NS
SPW = SAMP // NW
S_CH = 8
NPAIR = SPW // (2 * S_CH)

_mesh = plsc.VectorSubcoreMesh(core_axis_name="c", subcore_axis_name="s")


@functools.partial(
    pl.kernel,
    mesh=_mesh,
    out_type=jax.ShapeDtypeStruct((SAMP, SEQ, DIM), jnp.float32),
    scratch_types=[
        pltpu.VMEM((S_CH, SEQ), jnp.int32),
        pltpu.VMEM((S_CH, SEQ), jnp.int32),
        pltpu.VMEM((S_CH, SEQP, DIM), jnp.float32),
        pltpu.VMEM((S_CH, SEQP, DIM), jnp.float32),
        pltpu.SemaphoreType.DMA,
        pltpu.SemaphoreType.DMA,
        pltpu.SemaphoreType.DMA,
        pltpu.SemaphoreType.DMA,
    ],
)
def _gather_kernel(idx_hbm, table_hbm, out_hbm, idx_a, idx_b, rows_a,
                   rows_b, gsem_a, gsem_b, ssem_a, ssem_b):
    wid = lax.axis_index("s") * NC + lax.axis_index("c")
    base_s = wid * SPW

    def stage(s0, idx_v, rows_v, gsem):
        pltpu.sync_copy(idx_hbm.at[pl.ds(s0, S_CH)], idx_v)
        return [
            pltpu.async_copy(
                table_hbm.at[idx_v.at[k]],
                rows_v.at[k, pl.ds(0, SEQ)],
                gsem,
            )
            for k in range(S_CH)
        ]

    def writeback(s0, rows_v, ssem):
        return pltpu.async_copy(
            rows_v.at[pl.ds(0, S_CH), pl.ds(0, SEQ)],
            out_hbm.at[pl.ds(s0, S_CH)],
            ssem,
        )

    def pair(g, carry):
        sa = base_s + g * (2 * S_CH)
        sb = sa + S_CH
        ga = stage(sa, idx_a, rows_a, gsem_a)
        gb = stage(sb, idx_b, rows_b, gsem_b)
        for cp in ga:
            cp.wait()
        wa = writeback(sa, rows_a, ssem_a)
        for cp in gb:
            cp.wait()
        wb = writeback(sb, rows_b, ssem_b)
        wa.wait()
        wb.wait()
        return carry

    lax.fori_loop(0, NPAIR, pair, 0)


def kernel(input, emb_weight):
    return _gather_kernel(input.astype(jnp.int32), emb_weight)

# --- scband reference (transcript-rebuilt; emitter-appended) ---
"""Pipeline reference for scband-embedding-49675591746133 (READ-ONLY COPY).

The authoritative reference and input builder live on the scoring server;
editing this copy changes nothing except your own understanding.
"""

import jax, jax.numpy as jnp
import numpy as np

VOCAB = 100000
DIM = 128

def setup_inputs(seed: int = 0) -> dict:
    key = jax.random.key(seed)
    k_idx, k_w = jax.random.split(key)
    input = jax.random.randint(k_idx, (4096, 50), 0, VOCAB, dtype=jnp.int64 if jax.config.jax_enable_x64 else jnp.int32)
    # xavier_uniform init for [VOCAB, DIM] weight
    bound = float(np.sqrt(6.0 / (VOCAB + DIM)))
    emb_weight = jax.random.uniform(k_w, (VOCAB, DIM), minval=-bound, maxval=bound, dtype=jnp.float32)
    return {"input": input, "emb_weight": emb_weight}

def reference(input, emb_weight):
    # nn.Embedding lookup: gather rows of the table
    return jnp.take(emb_weight, input, axis=0)

if __name__ == "__main__":
    import jax
    _d = setup_inputs()
    print(jax.jit(kernel)(*tuple(_d.values())))

</pallas_src>

<mosaic_0001>
#map = affine_map<(d0, d1) -> (0, 0)>
#map1 = affine_map<(d0, d1) -> (0, 0, 0)>
module attributes {stable_mosaic.version = 14 : i64} {
  func.func @_gather_kernel(%arg0: i32, %arg1: i32, %arg2: memref<4096x50xi32, #tpu.memory_space<hbm>>, %arg3: memref<100000x128xf32, #tpu.memory_space<hbm>>, %arg4: memref<4096x50x128xf32, #tpu.memory_space<hbm>>, %arg5: memref<8x50xi32, #tpu.memory_space<vmem>>, %arg6: memref<8x50xi32, #tpu.memory_space<vmem>>, %arg7: memref<8x56x128xf32, #tpu.memory_space<vmem>>, %arg8: memref<8x56x128xf32, #tpu.memory_space<vmem>>, %arg9: memref<!tpu.dma_semaphore, #tpu.memory_space<semaphore_mem>>, %arg10: memref<!tpu.dma_semaphore, #tpu.memory_space<semaphore_mem>>, %arg11: memref<!tpu.dma_semaphore, #tpu.memory_space<semaphore_mem>>, %arg12: memref<!tpu.dma_semaphore, #tpu.memory_space<semaphore_mem>>) attributes {dimension_semantics = [#tpu.dimension_semantics<core_parallel>, #tpu.dimension_semantics<subcore_parallel>], iteration_bounds = array<i64: 2, 16>, scalar_prefetch = 0 : i64, scratch_operands = 8 : i64, tpu.core_type = #tpu.core_type<sc_vector_subcore>, window_params = [{transform_indices = #map}, {transform_indices = #map}, {transform_indices = #map1}]} {
    %mul3A = arith.constant 2 : i32
    %mul3A_0 = arith.muli %arg1, %mul3A : i32
    %add3A = arith.addi %mul3A_0, %arg0 : i32
    %mul3A_1 = arith.constant 128 : i32
    %mul3A_2 = arith.muli %add3A, %mul3A_1 : i32
    %scan3A = arith.constant 0 : i32
    %scan3A_3 = arith.constant 0 : i32
    %scan3A_4 = arith.constant 8 : i32
    %scan3A_5 = arith.addi %scan3A_3, %scan3A_4 : i32
    %scan3A_6 = arith.constant 1 : i32
    scf.for %scan3A_8 = %scan3A_3 to %scan3A_5 step %scan3A_6  : i32 {
      %mul3A_9 = arith.constant 16 : i32
      %mul3A_10 = arith.muli %scan3A_8, %mul3A_9 : i32
      %add3A_11 = arith.addi %mul3A_2, %mul3A_10 : i32
      %add3A_12 = arith.constant 8 : i32
      %add3A_13 = arith.addi %add3A_11, %add3A_12 : i32
      "tpu.region"() ({
        %run_scoped3A = tpu.sem_alloc : memref<!tpu.dma_semaphore, #tpu.memory_space<semaphore_mem>>
        %dma_start3A_452 = arith.constant 0 : i32
        %dma_start3A_453 = tpu.memref_slice %arg2[%add3A_11, %dma_start3A_452] : memref<4096x50xi32, #tpu.memory_space<hbm>> -> memref<8x50xi32, #tpu.memory_space<hbm>>
        %dma_start3A_454 = arith.constant 0 : i32
        %dma_start3A_455 = tpu.memref_slice %arg2[%add3A_11, %dma_start3A_454] : memref<4096x50xi32, #tpu.memory_space<hbm>> -> memref<8x50xi32, #tpu.memory_space<hbm>>
        tpu.enqueue_dma source(%dma_start3A_455 : memref<8x50xi32, #tpu.memory_space<hbm>>) target(%arg5 : memref<8x50xi32, #tpu.memory_space<vmem>>) target_semaphore(%run_scoped3A : memref<!tpu.dma_semaphore, #tpu.memory_space<semaphore_mem>>)
        %dma_wait3A_456 = arith.constant 0 : i32
        %dma_wait3A_457 = tpu.memref_slice %arg2[%add3A_11, %dma_wait3A_456] : memref<4096x50xi32, #tpu.memory_space<hbm>> -> memref<8x50xi32, #tpu.memory_space<hbm>>
        %dma_wait3A_458 = arith.constant 0 : i32
        %dma_wait3A_459 = tpu.memref_slice %arg2[%add3A_11, %dma_wait3A_458] : memref<4096x50xi32, #tpu.memory_space<hbm>> -> memref<8x50xi32, #tpu.memory_space<hbm>>
        tpu.wait_dma2 semaphore(%run_scoped3A : memref<!tpu.dma_semaphore, #tpu.memory_space<semaphore_mem>>) src(%dma_wait3A_459 : memref<8x50xi32, #tpu.memory_space<hbm>>) dst(%arg5 : memref<8x50xi32, #tpu.memory_space<vmem>>)
        tpu.yield
      }) : () -> ()
      %dma_start3A = arith.constant 0 : i32
      %dma_start3A_14 = arith.constant 0 : i32
      %dma_start3A_15 = arith.constant 0 : i32
      %dma_start3A_16 = arith.constant 0 : i32
      %dma_start3A_17 = tpu.memref_slice %arg7[%dma_start3A_14, %dma_start3A_15, %dma_start3A_16] : memref<8x56x128xf32, #tpu.memory_space<vmem>> -> memref<1x50x128xf32, #tpu.memory_space<vmem>>
      %dma_start3A_18 = tpu.memref_squeeze %dma_start3A_17 : memref<1x50x128xf32, #tpu.memory_space<vmem>> -> memref<50x128xf32, #tpu.memory_space<vmem>>
      %dma_start3A_19 = arith.constant 0 : i32
      %dma_start3A_20 = tpu.memref_slice %arg5[%dma_start3A, %dma_start3A_19] : memref<8x50xi32, #tpu.memory_space<vmem>> -> memref<1x50xi32, #tpu.memory_space<vmem>>
      %dma_start3A_21 = tpu.memref_squeeze %dma_start3A_20 : memref<1x50xi32, #tpu.memory_space<vmem>> -> memref<50xi32, #tpu.memory_space<vmem>>
      %dma_start3A_22 = arith.constant 0 : i32
      %dma_start3A_23 = arith.constant 0 : i32
      %dma_start3A_24 = tpu.memref_slice %arg3[%dma_start3A_22, %dma_start3A_23] : memref<100000x128xf32, #tpu.memory_space<hbm>> -> memref<100000x128xf32, #tpu.memory_space<hbm>>
      tpu.enqueue_indirect_dma source(%dma_start3A_24 : memref<100000x128xf32, #tpu.memory_space<hbm>>) target(%dma_start3A_18 : memref<50x128xf32, #tpu.memory_space<vmem>>) offsets(%dma_start3A_21 : memref<50xi32, #tpu.memory_space<vmem>>) semaphore(%arg9 : memref<!tpu.dma_semaphore, #tpu.memory_space<semaphore_mem>>)
      %dma_start3A_25 = arith.constant 1 : i32
      %dma_start3A_26 = arith.constant 1 : i32
      %dma_start3A_27 = arith.constant 0 : i32
      %dma_start3A_28 = arith.constant 0 : i32
      %dma_start3A_29 = tpu.memref_slice %arg7[%dma_start3A_26, %dma_start3A_27, %dma_start3A_28] : memref<8x56x128xf32, #tpu.memory_space<vmem>> -> memref<1x50x128xf32, #tpu.memory_space<vmem>>
      %dma_start3A_30 = tpu.memref_squeeze %dma_start3A_29 : memref<1x50x128xf32, #tpu.memory_space<vmem>> -> memref<50x128xf32, #tpu.memory_space<vmem>>
      %dma_start3A_31 = arith.constant 0 : i32
      %dma_start3A_32 = tpu.memref_slice %arg5[%dma_start3A_25, %dma_start3A_31] : memref<8x50xi32, #tpu.memory_space<vmem>> -> memref<1x50xi32, #tpu.memory_space<vmem>>
      %dma_start3A_33 = tpu.memref_squeeze %dma_start3A_32 : memref<1x50xi32, #tpu.memory_space<vmem>> -> memref<50xi32, #tpu.memory_space<vmem>>
      %dma_start3A_34 = arith.constant 0 : i32
      %dma_start3A_35 = arith.constant 0 : i32
      %dma_start3A_36 = tpu.memref_slice %arg3[%dma_start3A_34, %dma_start3A_35] : memref<100000x128xf32, #tpu.memory_space<hbm>> -> memref<100000x128xf32, #tpu.memory_space<hbm>>
      tpu.enqueue_indirect_dma source(%dma_start3A_36 : memref<100000x128xf32, #tpu.memory_space<hbm>>) target(%dma_start3A_30 : memref<50x128xf32, #tpu.memory_space<vmem>>) offsets(%dma_start3A_33 : memref<50xi32, #tpu.memory_space<vmem>>) semaphore(%arg9 : memref<!tpu.dma_semaphore, #tpu.memory_space<semaphore_mem>>)
      %dma_start3A_37 = arith.constant 2 : i32
      %dma_start3A_38 = arith.constant 2 : i32
      %dma_start3A_39 = arith.constant 0 : i32
      %dma_start3A_40 = arith.constant 0 : i32
      %dma_start3A_41 = tpu.memref_slice %arg7[%dma_start3A_38, %dma_start3A_39, %dma_start3A_40] : memref<8x56x128xf32, #tpu.memory_space<vmem>> -> memref<1x50x128xf32, #tpu.memory_space<vmem>>
      %dma_start3A_42 = tpu.memref_squeeze %dma_start3A_41 : memref<1x50x128xf32, #tpu.memory_space<vmem>> -> memref<50x128xf32, #tpu.memory_space<vmem>>
      %dma_start3A_43 = arith.constant 0 : i32
      %dma_start3A_44 = tpu.memref_slice %arg5[%dma_start3A_37, %dma_start3A_43] : memref<8x50xi32, #tpu.memory_space<vmem>> -> memref<1x50xi32, #tpu.memory_space<vmem>>
      %dma_start3A_45 = tpu.memref_squeeze %dma_start3A_44 : memref<1x50xi32, #tpu.memory_space<vmem>> -> memref<50xi32, #tpu.memory_space<vmem>>
      %dma_start3A_46 = arith.constant 0 : i32
      %dma_start3A_47 = arith.constant 0 : i32
      %dma_start3A_48 = tpu.memref_slice %arg3[%dma_start3A_46, %dma_start3A_47] : memref<100000x128xf32, #tpu.memory_space<hbm>> -> memref<100000x128xf32, #tpu.memory_space<hbm>>
      tpu.enqueue_indirect_dma source(%dma_start3A_48 : memref<100000x128xf32, #tpu.memory_space<hbm>>) target(%dma_start3A_42 : memref<50x128xf32, #tpu.memory_space<vmem>>) offsets(%dma_start3A_45 : memref<50xi32, #tpu.memory_space<vmem>>) semaphore(%arg9 : memref<!tpu.dma_semaphore, #tpu.memory_space<semaphore_mem>>)
      %dma_start3A_49 = arith.constant 3 : i32
      %dma_start3A_50 = arith.constant 3 : i32
      %dma_start3A_51 = arith.constant 0 : i32
      %dma_start3A_52 = arith.constant 0 : i32
      %dma_start3A_53 = tpu.memref_slice %arg7[%dma_start3A_50, %dma_start3A_51, %dma_start3A_52] : memref<8x56x128xf32, #tpu.memory_space<vmem>> -> memref<1x50x128xf32, #tpu.memory_space<vmem>>
      %dma_start3A_54 = tpu.memref_squeeze %dma_start3A_53 : memref<1x50x128xf32, #tpu.memory_space<vmem>> -> memref<50x128xf32, #tpu.memory_space<vmem>>
      %dma_start3A_55 = arith.constant 0 : i32
      %dma_start3A_56 = tpu.memref_slice %arg5[%dma_start3A_49, %dma_start3A_55] : memref<8x50xi32, #tpu.memory_space<vmem>> -> memref<1x50xi32, #tpu.memory_space<vmem>>
      %dma_start3A_57 = tpu.memref_squeeze %dma_start3A_56 : memref<1x50xi32, #tpu.memory_space<vmem>> -> memref<50xi32, #tpu.memory_space<vmem>>
      %dma_start3A_58 = arith.constant 0 : i32
      %dma_start3A_59 = arith.constant 0 : i32
      %dma_start3A_60 = tpu.memref_slice %arg3[%dma_start3A_58, %dma_start3A_59] : memref<100000x128xf32, #tpu.memory_space<hbm>> -> memref<100000x128xf32, #tpu.memory_space<hbm>>
      tpu.enqueue_indirect_dma source(%dma_start3A_60 : memref<100000x128xf32, #tpu.memory_space<hbm>>) target(%dma_start3A_54 : memref<50x128xf32, #tpu.memory_space<vmem>>) offsets(%dma_start3A_57 : memref<50xi32, #tpu.memory_space<vmem>>) semaphore(%arg9 : memref<!tpu.dma_semaphore, #tpu.memory_space<semaphore_mem>>)
      %dma_start3A_61 = arith.constant 4 : i32
      %dma_start3A_62 = arith.constant 4 : i32
      %dma_start3A_63 = arith.constant 0 : i32
      %dma_start3A_64 = arith.constant 0 : i32
      %dma_start3A_65 = tpu.memref_slice %arg7[%dma_start3A_62, %dma_start3A_63, %dma_start3A_64] : memref<8x56x128xf32, #tpu.memory_space<vmem>> -> memref<1x50x128xf32, #tpu.memory_space<vmem>>
      %dma_start3A_66 = tpu.memref_squeeze %dma_start3A_65 : memref<1x50x128xf32, #tpu.memory_space<vmem>> -> memref<50x128xf32, #tpu.memory_space<vmem>>
      %dma_start3A_67 = arith.constant 0 : i32
      %dma_start3A_68 = tpu.memref_slice %arg5[%dma_start3A_61, %dma_start3A_67] : memref<8x50xi32, #tpu.memory_space<vmem>> -> memref<1x50xi32, #tpu.memory_space<vmem>>
      %dma_start3A_69 = tpu.memref_squeeze %dma_start3A_68 : memref<1x50xi32, #tpu.memory_space<vmem>> -> memref<50xi32, #tpu.memory_space<vmem>>
      %dma_start3A_70 = arith.constant 0 : i32
      %dma_start3A_71 = arith.constant 0 : i32
      %dma_start3A_72 = tpu.memref_slice %arg3[%dma_start3A_70, %dma_start3A_71] : memref<100000x128xf32, #tpu.memory_space<hbm>> -> memref<100000x128xf32, #tpu.memory_space<hbm>>
      tpu.enqueue_indirect_dma source(%dma_start3A_72 : memref<100000x128xf32, #tpu.memory_space<hbm>>) target(%dma_start3A_66 : memref<50x128xf32, #tpu.memory_space<vmem>>) offsets(%dma_start3A_69 : memref<50xi32, #tpu.memory_space<vmem>>) semaphore(%arg9 : memref<!tpu.dma_semaphore, #tpu.memory_space<semaphore_mem>>)
      %dma_start3A_73 = arith.constant 5 : i32
      %dma_start3A_74 = arith.constant 5 : i32
      %dma_start3A_75 = arith.constant 0 : i32
      %dma_start3A_76 = arith.constant 0 : i32
      %dma_start3A_77 = tpu.memref_slice %arg7[%dma_start3A_74, %dma_start3A_75, %dma_start3A_76] : memref<8x56x128xf32, #tpu.memory_space<vmem>> -> memref<1x50x128xf32, #tpu.memory_space<vmem>>
      %dma_start3A_78 = tpu.memref_squeeze %dma_start3A_77 : memref<1x50x128xf32, #tpu.memory_space<vmem>> -> memref<50x128xf32, #tpu.memory_space<vmem>>
      %dma_start3A_79 = arith.constant 0 : i32
      %dma_start3A_80 = tpu.memref_slice %arg5[%dma_start3A_73, %dma_start3A_79] : memref<8x50xi32, #tpu.memory_space<vmem>> -> memref<1x50xi32, #tpu.memory_space<vmem>>
      %dma_start3A_81 = tpu.memref_squeeze %dma_start3A_80 : memref<1x50xi32, #tpu.memory_space<vmem>> -> memref<50xi32, #tpu.memory_space<vmem>>
      %dma_start3A_82 = arith.constant 0 : i32
      %dma_start3A_83 = arith.constant 0 : i32
      %dma_start3A_84 = tpu.memref_slice %arg3[%dma_start3A_82, %dma_start3A_83] : memref<100000x128xf32, #tpu.memory_space<hbm>> -> memref<100000x128xf32, #tpu.memory_space<hbm>>
      tpu.enqueue_indirect_dma source(%dma_start3A_84 : memref<100000x128xf32, #tpu.memory_space<hbm>>) target(%dma_start3A_78 : memref<50x128xf32, #tpu.memory_space<vmem>>) offsets(%dma_start3A_81 : memref<50xi32, #tpu.memory_space<vmem>>) semaphore(%arg9 : memref<!tpu.dma_semaphore, #tpu.memory_space<semaphore_mem>>)
      %dma_start3A_85 = arith.constant 6 : i32
      %dma_start3A_86 = arith.constant 6 : i32
      %dma_start3A_87 = arith.constant 0 : i32
      %dma_start3A_88 = arith.constant 0 : i32
      %dma_start3A_89 = tpu.memref_slice %arg7[%dma_start3A_86, %dma_start3A_87, %dma_start3A_88] : memref<8x56x128xf32, #tpu.memory_space<vmem>> -> memref<1x50x128xf32, #tpu.memory_space<vmem>>
      %dma_start3A_90 = tpu.memref_squeeze %dma_start3A_89 : memref<1x50x128xf32, #tpu.memory_space<vmem>> -> memref<50x128xf32, #tpu.memory_space<vmem>>
      %dma_start3A_91 = arith.constant 0 : i32
      %dma_start3A_92 = tpu.memref_slice %arg5[%dma_start3A_85, %dma_start3A_91] : memref<8x50xi32, #tpu.memory_space<vmem>> -> memref<1x50xi32, #tpu.memory_space<vmem>>
      %dma_start3A_93 = tpu.memref_squeeze %dma_start3A_92 : memref<1x50xi32, #tpu.memory_space<vmem>> -> memref<50xi32, #tpu.memory_space<vmem>>
      %dma_start3A_94 = arith.constant 0 : i32
      %dma_start3A_95 = arith.constant 0 : i32
      %dma_start3A_96 = tpu.memref_slice %arg3[%dma_start3A_94, %dma_start3A_95] : memref<100000x128xf32, #tpu.memory_space<hbm>> -> memref<100000x128xf32, #tpu.memory_space<hbm>>
      tpu.enqueue_indirect_dma source(%dma_start3A_96 : memref<100000x128xf32, #tpu.memory_space<hbm>>) target(%dma_start3A_90 : memref<50x128xf32, #tpu.memory_space<vmem>>) offsets(%dma_start3A_93 : memref<50xi32, #tpu.memory_space<vmem>>) semaphore(%arg9 : memref<!tpu.dma_semaphore, #tpu.memory_space<semaphore_mem>>)
      %dma_start3A_97 = arith.constant 7 : i32
      %dma_start3A_98 = arith.constant 7 : i32
      %dma_start3A_99 = arith.constant 0 : i32
      %dma_start3A_100 = arith.constant 0 : i32
      %dma_start3A_101 = tpu.memref_slice %arg7[%dma_start3A_98, %dma_start3A_99, %dma_start3A_100] : memref<8x56x128xf32, #tpu.memory_space<vmem>> -> memref<1x50x128xf32, #tpu.memory_space<vmem>>
      %dma_start3A_102 = tpu.memref_squeeze %dma_start3A_101 : memref<1x50x128xf32, #tpu.memory_space<vmem>> -> memref<50x128xf32, #tpu.memory_space<vmem>>
      %dma_start3A_103 = arith.constant 0 : i32
      %dma_start3A_104 = tpu.memref_slice %arg5[%dma_start3A_97, %dma_start3A_103] : memref<8x50xi32, #tpu.memory_space<vmem>> -> memref<1x50xi32, #tpu.memory_space<vmem>>
      %dma_start3A_105 = tpu.memref_squeeze %dma_start3A_104 : memref<1x50xi32, #tpu.memory_space<vmem>> -> memref<50xi32, #tpu.memory_space<vmem>>
      %dma_start3A_106 = arith.constant 0 : i32
      %dma_start3A_107 = arith.constant 0 : i32
      %dma_start3A_108 = tpu.memref_slice %arg3[%dma_start3A_106, %dma_start3A_107] : memref<100000x128xf32, #tpu.memory_space<hbm>> -> memref<100000x128xf32, #tpu.memory_space<hbm>>
      tpu.enqueue_indirect_dma source(%dma_start3A_108 : memref<100000x128xf32, #tpu.memory_space<hbm>>) target(%dma_start3A_102 : memref<50x128xf32, #tpu.memory_space<vmem>>) offsets(%dma_start3A_105 : memref<50xi32, #tpu.memory_space<vmem>>) semaphore(%arg9 : memref<!tpu.dma_semaphore, #tpu.memory_space<semaphore_mem>>)
      "tpu.region"() ({
        %run_scoped3A = tpu.sem_alloc : memref<!tpu.dma_semaphore, #tpu.memory_space<semaphore_mem>>
        %dma_start3A_452 = arith.constant 0 : i32
        %dma_start3A_453 = tpu.memref_slice %arg2[%add3A_13, %dma_start3A_452] : memref<4096x50xi32, #tpu.memory_space<hbm>> -> memref<8x50xi32, #tpu.memory_space<hbm>>
        %dma_start3A_454 = arith.constant 0 : i32
        %dma_start3A_455 = tpu.memref_slice %arg2[%add3A_13, %dma_start3A_454] : memref<4096x50xi32, #tpu.memory_space<hbm>> -> memref<8x50xi32, #tpu.memory_space<hbm>>
        tpu.enqueue_dma source(%dma_start3A_455 : memref<8x50xi32, #tpu.memory_space<hbm>>) target(%arg6 : memref<8x50xi32, #tpu.memory_space<vmem>>) target_semaphore(%run_scoped3A : memref<!tpu.dma_semaphore, #tpu.memory_space<semaphore_mem>>)
        %dma_wait3A_456 = arith.constant 0 : i32
        %dma_wait3A_457 = tpu.memref_slice %arg2[%add3A_13, %dma_wait3A_456] : memref<4096x50xi32, #tpu.memory_space<hbm>> -> memref<8x50xi32, #tpu.memory_space<hbm>>
        %dma_wait3A_458 = arith.constant 0 : i32
        %dma_wait3A_459 = tpu.memref_slice %arg2[%add3A_13, %dma_wait3A_458] : memref<4096x50xi32, #tpu.memory_space<hbm>> -> memref<8x50xi32, #tpu.memory_space<hbm>>
        tpu.wait_dma2 semaphore(%run_scoped3A : memref<!tpu.dma_semaphore, #tpu.memory_space<semaphore_mem>>) src(%dma_wait3A_459 : memref<8x50xi32, #tpu.memory_space<hbm>>) dst(%arg6 : memref<8x50xi32, #tpu.memory_space<vmem>>)
        tpu.yield
      }) : () -> ()
      %dma_start3A_109 = arith.constant 0 : i32
      %dma_start3A_110 = arith.constant 0 : i32
      %dma_start3A_111 = arith.constant 0 : i32
      %dma_start3A_112 = arith.constant 0 : i32
      %dma_start3A_113 = tpu.memref_slice %arg8[%dma_start3A_110, %dma_start3A_111, %dma_start3A_112] : memref<8x56x128xf32, #tpu.memory_space<vmem>> -> memref<1x50x128xf32, #tpu.memory_space<vmem>>
      %dma_start3A_114 = tpu.memref_squeeze %dma_start3A_113 : memref<1x50x128xf32, #tpu.memory_space<vmem>> -> memref<50x128xf32, #tpu.memory_space<vmem>>
      %dma_start3A_115 = arith.constant 0 : i32
      %dma_start3A_116 = tpu.memref_slice %arg6[%dma_start3A_109, %dma_start3A_115] : memref<8x50xi32, #tpu.memory_space<vmem>> -> memref<1x50xi32, #tpu.memory_space<vmem>>
      %dma_start3A_117 = tpu.memref_squeeze %dma_start3A_116 : memref<1x50xi32, #tpu.memory_space<vmem>> -> memref<50xi32, #tpu.memory_space<vmem>>
      %dma_start3A_118 = arith.constant 0 : i32
      %dma_start3A_119 = arith.constant 0 : i32
      %dma_start3A_120 = tpu.memref_slice %arg3[%dma_start3A_118, %dma_start3A_119] : memref<100000x128xf32, #tpu.memory_space<hbm>> -> memref<100000x128xf32, #tpu.memory_space<hbm>>
      tpu.enqueue_indirect_dma source(%dma_start3A_120 : memref<100000x128xf32, #tpu.memory_space<hbm>>) target(%dma_start3A_114 : memref<50x128xf32, #tpu.memory_space<vmem>>) offsets(%dma_start3A_117 : memref<50xi32, #tpu.memory_space<vmem>>) semaphore(%arg10 : memref<!tpu.dma_semaphore, #tpu.memory_space<semaphore_mem>>)
      %dma_start3A_121 = arith.constant 1 : i32
      %dma_start3A_122 = arith.constant 1 : i32
      %dma_start3A_123 = arith.constant 0 : i32
      %dma_start3A_124 = arith.constant 0 : i32
      %dma_start3A_125 = tpu.memref_slice %arg8[%dma_start3A_122, %dma_start3A_123, %dma_start3A_124] : memref<8x56x128xf32, #tpu.memory_space<vmem>> -> memref<1x50x128xf32, #tpu.memory_space<vmem>>
      %dma_start3A_126 = tpu.memref_squeeze %dma_start3A_125 : memref<1x50x128xf32, #tpu.memory_space<vmem>> -> memref<50x128xf32, #tpu.memory_space<vmem>>
      %dma_start3A_127 = arith.constant 0 : i32
      %dma_start3A_128 = tpu.memref_slice %arg6[%dma_start3A_121, %dma_start3A_127] : memref<8x50xi32, #tpu.memory_space<vmem>> -> memref<1x50xi32, #tpu.memory_space<vmem>>
      %dma_start3A_129 = tpu.memref_squeeze %dma_start3A_128 : memref<1x50xi32, #tpu.memory_space<vmem>> -> memref<50xi32, #tpu.memory_space<vmem>>
      %dma_start3A_130 = arith.constant 0 : i32
      %dma_start3A_131 = arith.constant 0 : i32
      %dma_start3A_132 = tpu.memref_slice %arg3[%dma_start3A_130, %dma_start3A_131] : memref<100000x128xf32, #tpu.memory_space<hbm>> -> memref<100000x128xf32, #tpu.memory_space<hbm>>
      tpu.enqueue_indirect_dma source(%dma_start3A_132 : memref<100000x128xf32, #tpu.memory_space<hbm>>) target(%dma_start3A_126 : memref<50x128xf32, #tpu.memory_space<vmem>>) offsets(%dma_start3A_129 : memref<50xi32, #tpu.memory_space<vmem>>) semaphore(%arg10 : memref<!tpu.dma_semaphore, #tpu.memory_space<semaphore_mem>>)
      %dma_start3A_133 = arith.constant 2 : i32
      %dma_start3A_134 = arith.constant 2 : i32
      %dma_start3A_135 = arith.constant 0 : i32
      %dma_start3A_136 = arith.constant 0 : i32
      %dma_start3A_137 = tpu.memref_slice %arg8[%dma_start3A_134, %dma_start3A_135, %dma_start3A_136] : memref<8x56x128xf32, #tpu.memory_space<vmem>> -> memref<1x50x128xf32, #tpu.memory_space<vmem>>
      %dma_start3A_138 = tpu.memref_squeeze %dma_start3A_137 : memref<1x50x128xf32, #tpu.memory_space<vmem>> -> memref<50x128xf32, #tpu.memory_space<vmem>>
      %dma_start3A_139 = arith.constant 0 : i32
      %dma_start3A_140 = tpu.memref_slice %arg6[%dma_start3A_133, %dma_start3A_139] : memref<8x50xi32, #tpu.memory_space<vmem>> -> memref<1x50xi32, #tpu.memory_space<vmem>>
      %dma_start3A_141 = tpu.memref_squeeze %dma_start3A_140 : memref<1x50xi32, #tpu.memory_space<vmem>> -> memref<50xi32, #tpu.memory_space<vmem>>
      %dma_start3A_142 = arith.constant 0 : i32
      %dma_start3A_143 = arith.constant 0 : i32
      %dma_start3A_144 = tpu.memref_slice %arg3[%dma_start3A_142, %dma_start3A_143] : memref<100000x128xf32, #tpu.memory_space<hbm>> -> memref<100000x128xf32, #tpu.memory_space<hbm>>
      tpu.enqueue_indirect_dma source(%dma_start3A_144 : memref<100000x128xf32, #tpu.memory_space<hbm>>) target(%dma_start3A_138 : memref<50x128xf32, #tpu.memory_space<vmem>>) offsets(%dma_start3A_141 : memref<50xi32, #tpu.memory_space<vmem>>) semaphore(%arg10 : memref<!tpu.dma_semaphore, #tpu.memory_space<semaphore_mem>>)
      %dma_start3A_145 = arith.constant 3 : i32
      %dma_start3A_146 = arith.constant 3 : i32
      %dma_start3A_147 = arith.constant 0 : i32
      %dma_start3A_148 = arith.constant 0 : i32
      %dma_start3A_149 = tpu.memref_slice %arg8[%dma_start3A_146, %dma_start3A_147, %dma_start3A_148] : memref<8x56x128xf32, #tpu.memory_space<vmem>> -> memref<1x50x128xf32, #tpu.memory_space<vmem>>
      %dma_start3A_150 = tpu.memref_squeeze %dma_start3A_149 : memref<1x50x128xf32, #tpu.memory_space<vmem>> -> memref<50x128xf32, #tpu.memory_space<vmem>>
      %dma_start3A_151 = arith.constant 0 : i32
      %dma_start3A_152 = tpu.memref_slice %arg6[%dma_start3A_145, %dma_start3A_151] : memref<8x50xi32, #tpu.memory_space<vmem>> -> memref<1x50xi32, #tpu.memory_space<vmem>>
      %dma_start3A_153 = tpu.memref_squeeze %dma_start3A_152 : memref<1x50xi32, #tpu.memory_space<vmem>> -> memref<50xi32, #tpu.memory_space<vmem>>
      %dma_start3A_154 = arith.constant 0 : i32
      %dma_start3A_155 = arith.constant 0 : i32
      %dma_start3A_156 = tpu.memref_slice %arg3[%dma_start3A_154, %dma_start3A_155] : memref<100000x128xf32, #tpu.memory_space<hbm>> -> memref<100000x128xf32, #tpu.memory_space<hbm>>
      tpu.enqueue_indirect_dma source(%dma_start3A_156 : memref<100000x128xf32, #tpu.memory_space<hbm>>) target(%dma_start3A_150 : memref<50x128xf32, #tpu.memory_space<vmem>>) offsets(%dma_start3A_153 : memref<50xi32, #tpu.memory_space<vmem>>) semaphore(%arg10 : memref<!tpu.dma_semaphore, #tpu.memory_space<semaphore_mem>>)
      %dma_start3A_157 = arith.constant 4 : i32
      %dma_start3A_158 = arith.constant 4 : i32
      %dma_start3A_159 = arith.constant 0 : i32
      %dma_start3A_160 = arith.constant 0 : i32
      %dma_start3A_161 = tpu.memref_slice %arg8[%dma_start3A_158, %dma_start3A_159, %dma_start3A_160] : memref<8x56x128xf32, #tpu.memory_space<vmem>> -> memref<1x50x128xf32, #tpu.memory_space<vmem>>
      %dma_start3A_162 = tpu.memref_squeeze %dma_start3A_161 : memref<1x50x128xf32, #tpu.memory_space<vmem>> -> memref<50x128xf32, #tpu.memory_space<vmem>>
      %dma_start3A_163 = arith.constant 0 : i32
      %dma_start3A_164 = tpu.memref_slice %arg6[%dma_start3A_157, %dma_start3A_163] : memref<8x50xi32, #tpu.memory_space<vmem>> -> memref<1x50xi32, #tpu.memory_space<vmem>>
      %dma_start3A_165 = tpu.memref_squeeze %dma_start3A_164 : memref<1x50xi32, #tpu.memory_space<vmem>> -> memref<50xi32, #tpu.memory_space<vmem>>
      %dma_start3A_166 = arith.constant 0 : i32
      %dma_start3A_167 = arith.constant 0 : i32
      %dma_start3A_168 = tpu.memref_slice %arg3[%dma_start3A_166, %dma_start3A_167] : memref<100000x128xf32, #tpu.memory_space<hbm>> -> memref<100000x128xf32, #tpu.memory_space<hbm>>
      tpu.enqueue_indirect_dma source(%dma_start3A_168 : memref<100000x128xf32, #tpu.memory_space<hbm>>) target(%dma_start3A_162 : memref<50x128xf32, #tpu.memory_space<vmem>>) offsets(%dma_start3A_165 : memref<50xi32, #tpu.memory_space<vmem>>) semaphore(%arg10 : memref<!tpu.dma_semaphore, #tpu.memory_space<semaphore_mem>>)
      %dma_start3A_169 = arith.constant 5 : i32
      %dma_start3A_170 = arith.constant 5 : i32
      %dma_start3A_171 = arith.constant 0 : i32
      %dma_start3A_172 = arith.constant 0 : i32
      %dma_start3A_173 = tpu.memref_slice %arg8[%dma_start3A_170, %dma_start3A_171, %dma_start3A_172] : memref<8x56x128xf32, #tpu.memory_space<vmem>> -> memref<1x50x128xf32, #tpu.memory_space<vmem>>
      %dma_start3A_174 = tpu.memref_squeeze %dma_start3A_173 : memref<1x50x128xf32, #tpu.memory_space<vmem>> -> memref<50x128xf32, #tpu.memory_space<vmem>>
      %dma_start3A_175 = arith.constant 0 : i32
      %dma_start3A_176 = tpu.memref_slice %arg6[%dma_start3A_169, %dma_start3A_175] : memref<8x50xi32, #tpu.memory_space<vmem>> -> memref<1x50xi32, #tpu.memory_space<vmem>>
      %dma_start3A_177 = tpu.memref_squeeze %dma_start3A_176 : memref<1x50xi32, #tpu.memory_space<vmem>> -> memref<50xi32, #tpu.memory_space<vmem>>
      %dma_start3A_178 = arith.constant 0 : i32
      %dma_start3A_179 = arith.constant 0 : i32
      %dma_start3A_180 = tpu.memref_slice %arg3[%dma_start3A_178, %dma_start3A_179] : memref<100000x128xf32, #tpu.memory_space<hbm>> -> memref<100000x128xf32, #tpu.memory_space<hbm>>
      tpu.enqueue_indirect_dma source(%dma_start3A_180 : memref<100000x128xf32, #tpu.memory_space<hbm>>) target(%dma_start3A_174 : memref<50x128xf32, #tpu.memory_space<vmem>>) offsets(%dma_start3A_177 : memref<50xi32, #tpu.memory_space<vmem>>) semaphore(%arg10 : memref<!tpu.dma_semaphore, #tpu.memory_space<semaphore_mem>>)
      %dma_start3A_181 = arith.constant 6 : i32
      %dma_start3A_182 = arith.constant 6 : i32
      %dma_start3A_183 = arith.constant 0 : i32
      %dma_start3A_184 = arith.constant 0 : i32
      %dma_start3A_185 = tpu.memref_slice %arg8[%dma_start3A_182, %dma_start3A_183, %dma_start3A_184] : memref<8x56x128xf32, #tpu.memory_space<vmem>> -> memref<1x50x128xf32, #tpu.memory_space<vmem>>
      %dma_start3A_186 = tpu.memref_squeeze %dma_start3A_185 : memref<1x50x128xf32, #tpu.memory_space<vmem>> -> memref<50x128xf32, #tpu.memory_space<vmem>>
      %dma_start3A_187 = arith.constant 0 : i32
      %dma_start3A_188 = tpu.memref_slice %arg6[%dma_start3A_181, %dma_start3A_187] : memref<8x50xi32, #tpu.memory_space<vmem>> -> memref<1x50xi32, #tpu.memory_space<vmem>>
      %dma_start3A_189 = tpu.memref_squeeze %dma_start3A_188 : memref<1x50xi32, #tpu.memory_space<vmem>> -> memref<50xi32, #tpu.memory_space<vmem>>
      %dma_start3A_190 = arith.constant 0 : i32
      %dma_start3A_191 = arith.constant 0 : i32
      %dma_start3A_192 = tpu.memref_slice %arg3[%dma_start3A_190, %dma_start3A_191] : memref<100000x128xf32, #tpu.memory_space<hbm>> -> memref<100000x128xf32, #tpu.memory_space<hbm>>
      tpu.enqueue_indirect_dma source(%dma_start3A_192 : memref<100000x128xf32, #tpu.memory_space<hbm>>) target(%dma_start3A_186 : memref<50x128xf32, #tpu.memory_space<vmem>>) offsets(%dma_start3A_189 : memref<50xi32, #tpu.memory_space<vmem>>) semaphore(%arg10 : memref<!tpu.dma_semaphore, #tpu.memory_space<semaphore_mem>>)
      %dma_start3A_193 = arith.constant 7 : i32
      %dma_start3A_194 = arith.constant 7 : i32
      %dma_start3A_195 = arith.constant 0 : i32
      %dma_start3A_196 = arith.constant 0 : i32
      %dma_start3A_197 = tpu.memref_slice %arg8[%dma_start3A_194, %dma_start3A_195, %dma_start3A_196] : memref<8x56x128xf32, #tpu.memory_space<vmem>> -> memref<1x50x128xf32, #tpu.memory_space<vmem>>
      %dma_start3A_198 = tpu.memref_squeeze %dma_start3A_197 : memref<1x50x128xf32, #tpu.memory_space<vmem>> -> memref<50x128xf32, #tpu.memory_space<vmem>>
      %dma_start3A_199 = arith.constant 0 : i32
      %dma_start3A_200 = tpu.memref_slice %arg6[%dma_start3A_193, %dma_start3A_199] : memref<8x50xi32, #tpu.memory_space<vmem>> -> memref<1x50xi32, #tpu.memory_space<vmem>>
      %dma_start3A_201 = tpu.memref_squeeze %dma_start3A_200 : memref<1x50xi32, #tpu.memory_space<vmem>> -> memref<50xi32, #tpu.memory_space<vmem>>
      %dma_start3A_202 = arith.constant 0 : i32
      %dma_start3A_203 = arith.constant 0 : i32
      %dma_start3A_204 = tpu.memref_slice %arg3[%dma_start3A_202, %dma_start3A_203] : memref<100000x128xf32, #tpu.memory_space<hbm>> -> memref<100000x128xf32, #tpu.memory_space<hbm>>
      tpu.enqueue_indirect_dma source(%dma_start3A_204 : memref<100000x128xf32, #tpu.memory_space<hbm>>) target(%dma_start3A_198 : memref<50x128xf32, #tpu.memory_space<vmem>>) offsets(%dma_start3A_201 : memref<50xi32, #tpu.memory_space<vmem>>) semaphore(%arg10 : memref<!tpu.dma_semaphore, #tpu.memory_space<semaphore_mem>>)
      %dma_wait3A = arith.constant 0 : i32
      %dma_wait3A_205 = arith.constant 0 : i32
      %dma_wait3A_206 = arith.constant 0 : i32
      %dma_wait3A_207 = arith.constant 0 : i32
      %dma_wait3A_208 = tpu.memref_slice %arg7[%dma_wait3A_205, %dma_wait3A_206, %dma_wait3A_207] : memref<8x56x128xf32, #tpu.memory_space<vmem>> -> memref<1x50x128xf32, #tpu.memory_space<vmem>>
      %dma_wait3A_209 = tpu.memref_squeeze %dma_wait3A_208 : memref<1x50x128xf32, #tpu.memory_space<vmem>> -> memref<50x128xf32, #tpu.memory_space<vmem>>
      %dma_wait3A_210 = arith.constant 0 : i32
      %dma_wait3A_211 = tpu.memref_slice %arg5[%dma_wait3A, %dma_wait3A_210] : memref<8x50xi32, #tpu.memory_space<vmem>> -> memref<1x50xi32, #tpu.memory_space<vmem>>
      %dma_wait3A_212 = tpu.memref_squeeze %dma_wait3A_211 : memref<1x50xi32, #tpu.memory_space<vmem>> -> memref<50xi32, #tpu.memory_space<vmem>>
      %dma_wait3A_213 = arith.constant 0 : i32
      %dma_wait3A_214 = arith.constant 0 : i32
      %dma_wait3A_215 = tpu.memref_slice %arg3[%dma_wait3A_213, %dma_wait3A_214] : memref<100000x128xf32, #tpu.memory_space<hbm>> -> memref<100000x128xf32, #tpu.memory_space<hbm>>
      tpu.wait_indirect_dma semaphore(%arg9 : memref<!tpu.dma_semaphore, #tpu.memory_space<semaphore_mem>>) src(%dma_wait3A_215 : memref<100000x128xf32, #tpu.memory_space<hbm>>) dst(%dma_wait3A_209 : memref<50x128xf32, #tpu.memory_space<vmem>>)
      %dma_wait3A_216 = arith.constant 1 : i32
      %dma_wait3A_217 = arith.constant 1 : i32
      %dma_wait3A_218 = arith.constant 0 : i32
      %dma_wait3A_219 = arith.constant 0 : i32
      %dma_wait3A_220 = tpu.memref_slice %arg7[%dma_wait3A_217, %dma_wait3A_218, %dma_wait3A_219] : memref<8x56x128xf32, #tpu.memory_space<vmem>> -> memref<1x50x128xf32, #tpu.memory_space<vmem>>
      %dma_wait3A_221 = tpu.memref_squeeze %dma_wait3A_220 : memref<1x50x128xf32, #tpu.memory_space<vmem>> -> memref<50x128xf32, #tpu.memory_space<vmem>>
      %dma_wait3A_222 = arith.constant 0 : i32
      %dma_wait3A_223 = tpu.memref_slice %arg5[%dma_wait3A_216, %dma_wait3A_222] : memref<8x50xi32, #tpu.memory_space<vmem>> -> memref<1x50xi32, #tpu.memory_space<vmem>>
      %dma_wait3A_224 = tpu.memref_squeeze %dma_wait3A_223 : memref<1x50xi32, #tpu.memory_space<vmem>> -> memref<50xi32, #tpu.memory_space<vmem>>
      %dma_wait3A_225 = arith.constant 0 : i32
      %dma_wait3A_226 = arith.constant 0 : i32
      %dma_wait3A_227 = tpu.memref_slice %arg3[%dma_wait3A_225, %dma_wait3A_226] : memref<100000x128xf32, #tpu.memory_space<hbm>> -> memref<100000x128xf32, #tpu.memory_space<hbm>>
      tpu.wait_indirect_dma semaphore(%arg9 : memref<!tpu.dma_semaphore, #tpu.memory_space<semaphore_mem>>) src(%dma_wait3A_227 : memref<100000x128xf32, #tpu.memory_space<hbm>>) dst(%dma_wait3A_221 : memref<50x128xf32, #tpu.memory_space<vmem>>)
      %dma_wait3A_228 = arith.constant 2 : i32
      %dma_wait3A_229 = arith.constant 2 : i32
      %dma_wait3A_230 = arith.constant 0 : i32
      %dma_wait3A_231 = arith.constant 0 : i32
      %dma_wait3A_232 = tpu.memref_slice %arg7[%dma_wait3A_229, %dma_wait3A_230, %dma_wait3A_231] : memref<8x56x128xf32, #tpu.memory_space<vmem>> -> memref<1x50x128xf32, #tpu.memory_space<vmem>>
      %dma_wait3A_233 = tpu.memref_squeeze %dma_wait3A_232 : memref<1x50x128xf32, #tpu.memory_space<vmem>> -> memref<50x128xf32, #tpu.memory_space<vmem>>
      %dma_wait3A_234 = arith.constant 0 : i32
      %dma_wait3A_235 = tpu.memref_slice %arg5[%dma_wait3A_228, %dma_wait3A_234] : memref<8x50xi32, #tpu.memory_space<vmem>> -> memref<1x50xi32, #tpu.memory_space<vmem>>
      %dma_wait3A_236 = tpu.memref_squeeze %dma_wait3A_235 : memref<1x50xi32, #tpu.memory_space<vmem>> -> memref<50xi32, #tpu.memory_space<vmem>>
      %dma_wait3A_237 = arith.constant 0 : i32
      %dma_wait3A_238 = arith.constant 0 : i32
      %dma_wait3A_239 = tpu.memref_slice %arg3[%dma_wait3A_237, %dma_wait3A_238] : memref<100000x128xf32, #tpu.memory_space<hbm>> -> memref<100000x128xf32, #tpu.memory_space<hbm>>
      tpu.wait_indirect_dma semaphore(%arg9 : memref<!tpu.dma_semaphore, #tpu.memory_space<semaphore_mem>>) src(%dma_wait3A_239 : memref<100000x128xf32, #tpu.memory_space<hbm>>) dst(%dma_wait3A_233 : memref<50x128xf32, #tpu.memory_space<vmem>>)
      %dma_wait3A_240 = arith.constant 3 : i32
      %dma_wait3A_241 = arith.constant 3 : i32
      %dma_wait3A_242 = arith.constant 0 : i32
      %dma_wait3A_243 = arith.constant 0 : i32
      %dma_wait3A_244 = tpu.memref_slice %arg7[%dma_wait3A_241, %dma_wait3A_242, %dma_wait3A_243] : memref<8x56x128xf32, #tpu.memory_space<vmem>> -> memref<1x50x128xf32, #tpu.memory_space<vmem>>
      %dma_wait3A_245 = tpu.memref_squeeze %dma_wait3A_244 : memref<1x50x128xf32, #tpu.memory_space<vmem>> -> memref<50x128xf32, #tpu.memory_space<vmem>>
      %dma_wait3A_246 = arith.constant 0 : i32
      %dma_wait3A_247 = tpu.memref_slice %arg5[%dma_wait3A_240, %dma_wait3A_246] : memref<8x50xi32, #tpu.memory_space<vmem>> -> memref<1x50xi32, #tpu.memory_space<vmem>>
      %dma_wait3A_248 = tpu.memref_squeeze %dma_wait3A_247 : memref<1x50xi32, #tpu.memory_space<vmem>> -> memref<50xi32, #tpu.memory_space<vmem>>
      %dma_wait3A_249 = arith.constant 0 : i32
      %dma_wait3A_250 = arith.constant 0 : i32
      %dma_wait3A_251 = tpu.memref_slice %arg3[%dma_wait3A_249, %dma_wait3A_250] : memref<100000x128xf32, #tpu.memory_space<hbm>> -> memref<100000x128xf32, #tpu.memory_space<hbm>>
      tpu.wait_indirect_dma semaphore(%arg9 : memref<!tpu.dma_semaphore, #tpu.memory_space<semaphore_mem>>) src(%dma_wait3A_251 : memref<100000x128xf32, #tpu.memory_space<hbm>>) dst(%dma_wait3A_245 : memref<50x128xf32, #tpu.memory_space<vmem>>)
      %dma_wait3A_252 = arith.constant 4 : i32
      %dma_wait3A_253 = arith.constant 4 : i32
      %dma_wait3A_254 = arith.constant 0 : i32
      %dma_wait3A_255 = arith.constant 0 : i32
      %dma_wait3A_256 = tpu.memref_slice %arg7[%dma_wait3A_253, %dma_wait3A_254, %dma_wait3A_255] : memref<8x56x128xf32, #tpu.memory_space<vmem>> -> memref<1x50x128xf32, #tpu.memory_space<vmem>>
      %dma_wait3A_257 = tpu.memref_squeeze %dma_wait3A_256 : memref<1x50x128xf32, #tpu.memory_space<vmem>> -> memref<50x128xf32, #tpu.memory_space<vmem>>
      %dma_wait3A_258 = arith.constant 0 : i32
      %dma_wait3A_259 = tpu.memref_slice %arg5[%dma_wait3A_252, %dma_wait3A_258] : memref<8x50xi32, #tpu.memory_space<vmem>> -> memref<1x50xi32, #tpu.memory_space<vmem>>
      %dma_wait3A_260 = tpu.memref_squeeze %dma_wait3A_259 : memref<1x50xi32, #tpu.memory_space<vmem>> -> memref<50xi32, #tpu.memory_space<vmem>>
      %dma_wait3A_261 = arith.constant 0 : i32
      %dma_wait3A_262 = arith.constant 0 : i32
      %dma_wait3A_263 = tpu.memref_slice %arg3[%dma_wait3A_261, %dma_wait3A_262] : memref<100000x128xf32, #tpu.memory_space<hbm>> -> memref<100000x128xf32, #tpu.memory_space<hbm>>
      tpu.wait_indirect_dma semaphore(%arg9 : memref<!tpu.dma_semaphore, #tpu.memory_space<semaphore_mem>>) src(%dma_wait3A_263 : memref<100000x128xf32, #tpu.memory_space<hbm>>) dst(%dma_wait3A_257 : memref<50x128xf32, #tpu.memory_space<vmem>>)
      %dma_wait3A_264 = arith.constant 5 : i32
      %dma_wait3A_265 = arith.constant 5 : i32
      %dma_wait3A_266 = arith.constant 0 : i32
      %dma_wait3A_267 = arith.constant 0 : i32
      %dma_wait3A_268 = tpu.memref_slice %arg7[%dma_wait3A_265, %dma_wait3A_266, %dma_wait3A_267] : memref<8x56x128xf32, #tpu.memory_space<vmem>> -> memref<1x50x128xf32, #tpu.memory_space<vmem>>
      %dma_wait3A_269 = tpu.memref_squeeze %dma_wait3A_268 : memref<1x50x128xf32, #tpu.memory_space<vmem>> -> memref<50x128xf32, #tpu.memory_space<vmem>>
      %dma_wait3A_270 = arith.constant 0 : i32
      %dma_wait3A_271 = tpu.memref_slice %arg5[%dma_wait3A_264, %dma_wait3A_270] : memref<8x50xi32, #tpu.memory_space<vmem>> -> memref<1x50xi32, #tpu.memory_space<vmem>>
      %dma_wait3A_272 = tpu.memref_squeeze %dma_wait3A_271 : memref<1x50xi32, #tpu.memory_space<vmem>> -> memref<50xi32, #tpu.memory_space<vmem>>
      %dma_wait3A_273 = arith.constant 0 : i32
      %dma_wait3A_274 = arith.constant 0 : i32
      %dma_wait3A_275 = tpu.memref_slice %arg3[%dma_wait3A_273, %dma_wait3A_274] : memref<100000x128xf32, #tpu.memory_space<hbm>> -> memref<100000x128xf32, #tpu.memory_space<hbm>>
      tpu.wait_indirect_dma semaphore(%arg9 : memref<!tpu.dma_semaphore, #tpu.memory_space<semaphore_mem>>) src(%dma_wait3A_275 : memref<100000x128xf32, #tpu.memory_space<hbm>>) dst(%dma_wait3A_269 : memref<50x128xf32, #tpu.memory_space<vmem>>)
      %dma_wait3A_276 = arith.constant 6 : i32
      %dma_wait3A_277 = arith.constant 6 : i32
      %dma_wait3A_278 = arith.constant 0 : i32
      %dma_wait3A_279 = arith.constant 0 : i32
      %dma_wait3A_280 = tpu.memref_slice %arg7[%dma_wait3A_277, %dma_wait3A_278, %dma_wait3A_279] : memref<8x56x128xf32, #tpu.memory_space<vmem>> -> memref<1x50x128xf32, #tpu.memory_space<vmem>>
      %dma_wait3A_281 = tpu.memref_squeeze %dma_wait3A_280 : memref<1x50x128xf32, #tpu.memory_space<vmem>> -> memref<50x128xf32, #tpu.memory_space<vmem>>
      %dma_wait3A_282 = arith.constant 0 : i32
      %dma_wait3A_283 = tpu.memref_slice %arg5[%dma_wait3A_276, %dma_wait3A_282] : memref<8x50xi32, #tpu.memory_space<vmem>> -> memref<1x50xi32, #tpu.memory_space<vmem>>
      %dma_wait3A_284 = tpu.memref_squeeze %dma_wait3A_283 : memref<1x50xi32, #tpu.memory_space<vmem>> -> memref<50xi32, #tpu.memory_space<vmem>>
      %dma_wait3A_285 = arith.constant 0 : i32
      %dma_wait3A_286 = arith.constant 0 : i32
      %dma_wait3A_287 = tpu.memref_slice %arg3[%dma_wait3A_285, %dma_wait3A_286] : memref<100000x128xf32, #tpu.memory_space<hbm>> -> memref<100000x128xf32, #tpu.memory_space<hbm>>
      tpu.wait_indirect_dma semaphore(%arg9 : memref<!tpu.dma_semaphore, #tpu.memory_space<semaphore_mem>>) src(%dma_wait3A_287 : memref<100000x128xf32, #tpu.memory_space<hbm>>) dst(%dma_wait3A_281 : memref<50x128xf32, #tpu.memory_space<vmem>>)
      %dma_wait3A_288 = arith.constant 7 : i32
      %dma_wait3A_289 = arith.constant 7 : i32
      %dma_wait3A_290 = arith.constant 0 : i32
      %dma_wait3A_291 = arith.constant 0 : i32
      %dma_wait3A_292 = tpu.memref_slice %arg7[%dma_wait3A_289, %dma_wait3A_290, %dma_wait3A_291] : memref<8x56x128xf32, #tpu.memory_space<vmem>> -> memref<1x50x128xf32, #tpu.memory_space<vmem>>
      %dma_wait3A_293 = tpu.memref_squeeze %dma_wait3A_292 : memref<1x50x128xf32, #tpu.memory_space<vmem>> -> memref<50x128xf32, #tpu.memory_space<vmem>>
      %dma_wait3A_294 = arith.constant 0 : i32
      %dma_wait3A_295 = tpu.memref_slice %arg5[%dma_wait3A_288, %dma_wait3A_294] : memref<8x50xi32, #tpu.memory_space<vmem>> -> memref<1x50xi32, #tpu.memory_space<vmem>>
      %dma_wait3A_296 = tpu.memref_squeeze %dma_wait3A_295 : memref<1x50xi32, #tpu.memory_space<vmem>> -> memref<50xi32, #tpu.memory_space<vmem>>
      %dma_wait3A_297 = arith.constant 0 : i32
      %dma_wait3A_298 = arith.constant 0 : i32
      %dma_wait3A_299 = tpu.memref_slice %arg3[%dma_wait3A_297, %dma_wait3A_298] : memref<100000x128xf32, #tpu.memory_space<hbm>> -> memref<100000x128xf32, #tpu.memory_space<hbm>>
      tpu.wait_indirect_dma semaphore(%arg9 : memref<!tpu.dma_semaphore, #tpu.memory_space<semaphore_mem>>) src(%dma_wait3A_299 : memref<100000x128xf32, #tpu.memory_space<hbm>>) dst(%dma_wait3A_293 : memref<50x128xf32, #tpu.memory_space<vmem>>)
      %dma_start3A_300 = arith.constant 0 : i32
      %dma_start3A_301 = arith.constant 0 : i32
      %dma_start3A_302 = arith.constant 0 : i32
      %dma_start3A_303 = tpu.memref_slice %arg7[%dma_start3A_300, %dma_start3A_301, %dma_start3A_302] : memref<8x56x128xf32, #tpu.memory_space<vmem>> -> memref<8x50x128xf32, #tpu.memory_space<vmem>>
      %dma_start3A_304 = arith.constant 0 : i32
      %dma_start3A_305 = arith.constant 0 : i32
      %dma_start3A_306 = tpu.memref_slice %arg4[%add3A_11, %dma_start3A_304, %dma_start3A_305] : memref<4096x50x128xf32, #tpu.memory_space<hbm>> -> memref<8x50x128xf32, #tpu.memory_space<hbm>>
      %dma_start3A_307 = arith.constant 0 : i32
      %dma_start3A_308 = arith.constant 0 : i32
      %dma_start3A_309 = tpu.memref_slice %arg4[%add3A_11, %dma_start3A_307, %dma_start3A_308] : memref<4096x50x128xf32, #tpu.memory_space<hbm>> -> memref<8x50x128xf32, #tpu.memory_space<hbm>>
      %dma_start3A_310 = arith.constant 0 : i32
      %dma_start3A_311 = arith.constant 0 : i32
      %dma_start3A_312 = arith.constant 0 : i32
      %dma_start3A_313 = tpu.memref_slice %arg7[%dma_start3A_310, %dma_start3A_311, %dma_start3A_312] : memref<8x56x128xf32, #tpu.memory_space<vmem>> -> memref<8x50x128xf32, #tpu.memory_space<vmem>>
      tpu.enqueue_dma source(%dma_start3A_313 : memref<8x50x128xf32, #tpu.memory_space<vmem>>) target(%dma_start3A_309 : memref<8x50x128xf32, #tpu.memory_space<hbm>>) target_semaphore(%arg11 : memref<!tpu.dma_semaphore, #tpu.memory_space<semaphore_mem>>)
      %dma_wait3A_314 = arith.constant 0 : i32
      %dma_wait3A_315 = arith.constant 0 : i32
      %dma_wait3A_316 = arith.constant 0 : i32
      %dma_wait3A_317 = arith.constant 0 : i32
      %dma_wait3A_318 = tpu.memref_slice %arg8[%dma_wait3A_315, %dma_wait3A_316, %dma_wait3A_317] : memref<8x56x128xf32, #tpu.memory_space<vmem>> -> memref<1x50x128xf32, #tpu.memory_space<vmem>>
      %dma_wait3A_319 = tpu.memref_squeeze %dma_wait3A_318 : memref<1x50x128xf32, #tpu.memory_space<vmem>> -> memref<50x128xf32, #tpu.memory_space<vmem>>
      %dma_wait3A_320 = arith.constant 0 : i32
      %dma_wait3A_321 = tpu.memref_slice %arg6[%dma_wait3A_314, %dma_wait3A_320] : memref<8x50xi32, #tpu.memory_space<vmem>> -> memref<1x50xi32, #tpu.memory_space<vmem>>
      %dma_wait3A_322 = tpu.memref_squeeze %dma_wait3A_321 : memref<1x50xi32, #tpu.memory_space<vmem>> -> memref<50xi32, #tpu.memory_space<vmem>>
      %dma_wait3A_323 = arith.constant 0 : i32
      %dma_wait3A_324 = arith.constant 0 : i32
      %dma_wait3A_325 = tpu.memref_slice %arg3[%dma_wait3A_323, %dma_wait3A_324] : memref<100000x128xf32, #tpu.memory_space<hbm>> -> memref<100000x128xf32, #tpu.memory_space<hbm>>
      tpu.wait_indirect_dma semaphore(%arg10 : memref<!tpu.dma_semaphore, #tpu.memory_space<semaphore_mem>>) src(%dma_wait3A_325 : memref<100000x128xf32, #tpu.memory_space<hbm>>) dst(%dma_wait3A_319 : memref<50x128xf32, #tpu.memory_space<vmem>>)
      %dma_wait3A_326 = arith.constant 1 : i32
      %dma_wait3A_327 = arith.constant 1 : i32
      %dma_wait3A_328 = arith.constant 0 : i32
      %dma_wait3A_329 = arith.constant 0 : i32
      %dma_wait3A_330 = tpu.memref_slice %arg8[%dma_wait3A_327, %dma_wait3A_328, %dma_wait3A_329] : memref<8x56x128xf32, #tpu.memory_space<vmem>> -> memref<1x50x128xf32, #tpu.memory_space<vmem>>
      %dma_wait3A_331 = tpu.memref_squeeze %dma_wait3A_330 : memref<1x50x128xf32, #tpu.memory_space<vmem>> -> memref<50x128xf32, #tpu.memory_space<vmem>>
      %dma_wait3A_332 = arith.constant 0 : i32
      %dma_wait3A_333 = tpu.memref_slice %arg6[%dma_wait3A_326, %dma_wait3A_332] : memref<8x50xi32, #tpu.memory_space<vmem>> -> memref<1x50xi32, #tpu.memory_space<vmem>>
      %dma_wait3A_334 = tpu.memref_squeeze %dma_wait3A_333 : memref<1x50xi32, #tpu.memory_space<vmem>> -> memref<50xi32, #tpu.memory_space<vmem>>
      %dma_wait3A_335 = arith.constant 0 : i32
      %dma_wait3A_336 = arith.constant 0 : i32
      %dma_wait3A_337 = tpu.memref_slice %arg3[%dma_wait3A_335, %dma_wait3A_336] : memref<100000x128xf32, #tpu.memory_space<hbm>> -> memref<100000x128xf32, #tpu.memory_space<hbm>>
      tpu.wait_indirect_dma semaphore(%arg10 : memref<!tpu.dma_semaphore, #tpu.memory_space<semaphore_mem>>) src(%dma_wait3A_337 : memref<100000x128xf32, #tpu.memory_space<hbm>>) dst(%dma_wait3A_331 : memref<50x128xf32, #tpu.memory_space<vmem>>)
      %dma_wait3A_338 = arith.constant 2 : i32
      %dma_wait3A_339 = arith.constant 2 : i32
      %dma_wait3A_340 = arith.constant 0 : i32
      %dma_wait3A_341 = arith.constant 0 : i32
      %dma_wait3A_342 = tpu.memref_slice %arg8[%dma_wait3A_339, %dma_wait3A_340, %dma_wait3A_341] : memref<8x56x128xf32, #tpu.memory_space<vmem>> -> memref<1x50x128xf32, #tpu.memory_space<vmem>>
      %dma_wait3A_343 = tpu.memref_squeeze %dma_wait3A_342 : memref<1x50x128xf32, #tpu.memory_space<vmem>> -> memref<50x128xf32, #tpu.memory_space<vmem>>
      %dma_wait3A_344 = arith.constant 0 : i32
      %dma_wait3A_345 = tpu.memref_slice %arg6[%dma_wait3A_338, %dma_wait3A_344] : memref<8x50xi32, #tpu.memory_space<vmem>> -> memref<1x50xi32, #tpu.memory_space<vmem>>
      %dma_wait3A_346 = tpu.memref_squeeze %dma_wait3A_345 : memref<1x50xi32, #tpu.memory_space<vmem>> -> memref<50xi32, #tpu.memory_space<vmem>>
      %dma_wait3A_347 = arith.constant 0 : i32
      %dma_wait3A_348 = arith.constant 0 : i32
      %dma_wait3A_349 = tpu.memref_slice %arg3[%dma_wait3A_347, %dma_wait3A_348] : memref<100000x128xf32, #tpu.memory_space<hbm>> -> memref<100000x128xf32, #tpu.memory_space<hbm>>
      tpu.wait_indirect_dma semaphore(%arg10 : memref<!tpu.dma_semaphore, #tpu.memory_space<semaphore_mem>>) src(%dma_wait3A_349 : memref<100000x128xf32, #tpu.memory_space<hbm>>) dst(%dma_wait3A_343 : memref<50x128xf32, #tpu.memory_space<vmem>>)
      %dma_wait3A_350 = arith.constant 3 : i32
      %dma_wait3A_351 = arith.constant 3 : i32
      %dma_wait3A_352 = arith.constant 0 : i32
      %dma_wait3A_353 = arith.constant 0 : i32
      %dma_wait3A_354 = tpu.memref_slice %arg8[%dma_wait3A_351, %dma_wait3A_352, %dma_wait3A_353] : memref<8x56x128xf32, #tpu.memory_space<vmem>> -> memref<1x50x128xf32, #tpu.memory_space<vmem>>
      %dma_wait3A_355 = tpu.memref_squeeze %dma_wait3A_354 : memref<1x50x128xf32, #tpu.memory_space<vmem>> -> memref<50x128xf32, #tpu.memory_space<vmem>>
      %dma_wait3A_356 = arith.constant 0 : i32
      %dma_wait3A_357 = tpu.memref_slice %arg6[%dma_wait3A_350, %dma_wait3A_356] : memref<8x50xi32, #tpu.memory_space<vmem>> -> memref<1x50xi32, #tpu.memory_space<vmem>>
      %dma_wait3A_358 = tpu.memref_squeeze %dma_wait3A_357 : memref<1x50xi32, #tpu.memory_space<vmem>> -> memref<50xi32, #tpu.memory_space<vmem>>
      %dma_wait3A_359 = arith.constant 0 : i32
      %dma_wait3A_360 = arith.constant 0 : i32
      %dma_wait3A_361 = tpu.memref_slice %arg3[%dma_wait3A_359, %dma_wait3A_360] : memref<100000x128xf32, #tpu.memory_space<hbm>> -> memref<100000x128xf32, #tpu.memory_space<hbm>>
      tpu.wait_indirect_dma semaphore(%arg10 : memref<!tpu.dma_semaphore, #tpu.memory_space<semaphore_mem>>) src(%dma_wait3A_361 : memref<100000x128xf32, #tpu.memory_space<hbm>>) dst(%dma_wait3A_355 : memref<50x128xf32, #tpu.memory_space<vmem>>)
      %dma_wait3A_362 = arith.constant 4 : i32
      %dma_wait3A_363 = arith.constant 4 : i32
      %dma_wait3A_364 = arith.constant 0 : i32
      %dma_wait3A_365 = arith.constant 0 : i32
      %dma_wait3A_366 = tpu.memref_slice %arg8[%dma_wait3A_363, %dma_wait3A_364, %dma_wait3A_365] : memref<8x56x128xf32, #tpu.memory_space<vmem>> -> memref<1x50x128xf32, #tpu.memory_space<vmem>>
      %dma_wait3A_367 = tpu.memref_squeeze %dma_wait3A_366 : memref<1x50x128xf32, #tpu.memory_space<vmem>> -> memref<50x128xf32, #tpu.memory_space<vmem>>
      %dma_wait3A_368 = arith.constant 0 : i32
      %dma_wait3A_369 = tpu.memref_slice %arg6[%dma_wait3A_362, %dma_wait3A_368] : memref<8x50xi32, #tpu.memory_space<vmem>> -> memref<1x50xi32, #tpu.memory_space<vmem>>
      %dma_wait3A_370 = tpu.memref_squeeze %dma_wait3A_369 : memref<1x50xi32, #tpu.memory_space<vmem>> -> memref<50xi32, #tpu.memory_space<vmem>>
      %dma_wait3A_371 = arith.constant 0 : i32
      %dma_wait3A_372 = arith.constant 0 : i32
      %dma_wait3A_373 = tpu.memref_slice %arg3[%dma_wait3A_371, %dma_wait3A_372] : memref<100000x128xf32, #tpu.memory_space<hbm>> -> memref<100000x128xf32, #tpu.memory_space<hbm>>
      tpu.wait_indirect_dma semaphore(%arg10 : memref<!tpu.dma_semaphore, #tpu.memory_space<semaphore_mem>>) src(%dma_wait3A_373 : memref<100000x128xf32, #tpu.memory_space<hbm>>) dst(%dma_wait3A_367 : memref<50x128xf32, #tpu.memory_space<vmem>>)
      %dma_wait3A_374 = arith.constant 5 : i32
      %dma_wait3A_375 = arith.constant 5 : i32
      %dma_wait3A_376 = arith.constant 0 : i32
      %dma_wait3A_377 = arith.constant 0 : i32
      %dma_wait3A_378 = tpu.memref_slice %arg8[%dma_wait3A_375, %dma_wait3A_376, %dma_wait3A_377] : memref<8x56x128xf32, #tpu.memory_space<vmem>> -> memref<1x50x128xf32, #tpu.memory_space<vmem>>
      %dma_wait3A_379 = tpu.memref_squeeze %dma_wait3A_378 : memref<1x50x128xf32, #tpu.memory_space<vmem>> -> memref<50x128xf32, #tpu.memory_space<vmem>>
      %dma_wait3A_380 = arith.constant 0 : i32
      %dma_wait3A_381 = tpu.memref_slice %arg6[%dma_wait3A_374, %dma_wait3A_380] : memref<8x50xi32, #tpu.memory_space<vmem>> -> memref<1x50xi32, #tpu.memory_space<vmem>>
      %dma_wait3A_382 = tpu.memref_squeeze %dma_wait3A_381 : memref<1x50xi32, #tpu.memory_space<vmem>> -> memref<50xi32, #tpu.memory_space<vmem>>
      %dma_wait3A_383 = arith.constant 0 : i32
      %dma_wait3A_384 = arith.constant 0 : i32
      %dma_wait3A_385 = tpu.memref_slice %arg3[%dma_wait3A_383, %dma_wait3A_384] : memref<100000x128xf32, #tpu.memory_space<hbm>> -> memref<100000x128xf32, #tpu.memory_space<hbm>>
      tpu.wait_indirect_dma semaphore(%arg10 : memref<!tpu.dma_semaphore, #tpu.memory_space<semaphore_mem>>) src(%dma_wait3A_385 : memref<100000x128xf32, #tpu.memory_space<hbm>>) dst(%dma_wait3A_379 : memref<50x128xf32, #tpu.memory_space<vmem>>)
      %dma_wait3A_386 = arith.constant 6 : i32
      %dma_wait3A_387 = arith.constant 6 : i32
      %dma_wait3A_388 = arith.constant 0 : i32
      %dma_wait3A_389 = arith.constant 0 : i32
      %dma_wait3A_390 = tpu.memref_slice %arg8[%dma_wait3A_387, %dma_wait3A_388, %dma_wait3A_389] : memref<8x56x128xf32, #tpu.memory_space<vmem>> -> memref<1x50x128xf32, #tpu.memory_space<vmem>>
      %dma_wait3A_391 = tpu.memref_squeeze %dma_wait3A_390 : memref<1x50x128xf32, #tpu.memory_space<vmem>> -> memref<50x128xf32, #tpu.memory_space<vmem>>
      %dma_wait3A_392 = arith.constant 0 : i32
      %dma_wait3A_393 = tpu.memref_slice %arg6[%dma_wait3A_386, %dma_wait3A_392] : memref<8x50xi32, #tpu.memory_space<vmem>> -> memref<1x50xi32, #tpu.memory_space<vmem>>
      %dma_wait3A_394 = tpu.memref_squeeze %dma_wait3A_393 : memref<1x50xi32, #tpu.memory_space<vmem>> -> memref<50xi32, #tpu.memory_space<vmem>>
      %dma_wait3A_395 = arith.constant 0 : i32
      %dma_wait3A_396 = arith.constant 0 : i32
      %dma_wait3A_397 = tpu.memref_slice %arg3[%dma_wait3A_395, %dma_wait3A_396] : memref<100000x128xf32, #tpu.memory_space<hbm>> -> memref<100000x128xf32, #tpu.memory_space<hbm>>
      tpu.wait_indirect_dma semaphore(%arg10 : memref<!tpu.dma_semaphore, #tpu.memory_space<semaphore_mem>>) src(%dma_wait3A_397 : memref<100000x128xf32, #tpu.memory_space<hbm>>) dst(%dma_wait3A_391 : memref<50x128xf32, #tpu.memory_space<vmem>>)
      %dma_wait3A_398 = arith.constant 7 : i32
      %dma_wait3A_399 = arith.constant 7 : i32
      %dma_wait3A_400 = arith.constant 0 : i32
      %dma_wait3A_401 = arith.constant 0 : i32
      %dma_wait3A_402 = tpu.memref_slice %arg8[%dma_wait3A_399, %dma_wait3A_400, %dma_wait3A_401] : memref<8x56x128xf32, #tpu.memory_space<vmem>> -> memref<1x50x128xf32, #tpu.memory_space<vmem>>
      %dma_wait3A_403 = tpu.memref_squeeze %dma_wait3A_402 : memref<1x50x128xf32, #tpu.memory_space<vmem>> -> memref<50x128xf32, #tpu.memory_space<vmem>>
      %dma_wait3A_404 = arith.constant 0 : i32
      %dma_wait3A_405 = tpu.memref_slice %arg6[%dma_wait3A_398, %dma_wait3A_404] : memref<8x50xi32, #tpu.memory_space<vmem>> -> memref<1x50xi32, #tpu.memory_space<vmem>>
      %dma_wait3A_406 = tpu.memref_squeeze %dma_wait3A_405 : memref<1x50xi32, #tpu.memory_space<vmem>> -> memref<50xi32, #tpu.memory_space<vmem>>
      %dma_wait3A_407 = arith.constant 0 : i32
      %dma_wait3A_408 = arith.constant 0 : i32
      %dma_wait3A_409 = tpu.memref_slice %arg3[%dma_wait3A_407, %dma_wait3A_408] : memref<100000x128xf32, #tpu.memory_space<hbm>> -> memref<100000x128xf32, #tpu.memory_space<hbm>>
      tpu.wait_indirect_dma semaphore(%arg10 : memref<!tpu.dma_semaphore, #tpu.memory_space<semaphore_mem>>) src(%dma_wait3A_409 : memref<100000x128xf32, #tpu.memory_space<hbm>>) dst(%dma_wait3A_403 : memref<50x128xf32, #tpu.memory_space<vmem>>)
      %dma_start3A_410 = arith.constant 0 : i32
      %dma_start3A_411 = arith.constant 0 : i32
      %dma_start3A_412 = arith.constant 0 : i32
      %dma_start3A_413 = tpu.memref_slice %arg8[%dma_start3A_410, %dma_start3A_411, %dma_start3A_412] : memref<8x56x128xf32, #tpu.memory_space<vmem>> -> memref<8x50x128xf32, #tpu.memory_space<vmem>>
      %dma_start3A_414 = arith.constant 0 : i32
      %dma_start3A_415 = arith.constant 0 : i32
      %dma_start3A_416 = tpu.memref_slice %arg4[%add3A_13, %dma_start3A_414, %dma_start3A_415] : memref<4096x50x128xf32, #tpu.memory_space<hbm>> -> memref<8x50x128xf32, #tpu.memory_space<hbm>>
      %dma_start3A_417 = arith.constant 0 : i32
      %dma_start3A_418 = arith.constant 0 : i32
      %dma_start3A_419 = tpu.memref_slice %arg4[%add3A_13, %dma_start3A_417, %dma_start3A_418] : memref<4096x50x128xf32, #tpu.memory_space<hbm>> -> memref<8x50x128xf32, #tpu.memory_space<hbm>>
      %dma_start3A_420 = arith.constant 0 : i32
      %dma_start3A_421 = arith.constant 0 : i32
      %dma_start3A_422 = arith.constant 0 : i32
      %dma_start3A_423 = tpu.memref_slice %arg8[%dma_start3A_420, %dma_start3A_421, %dma_start3A_422] : memref<8x56x128xf32, #tpu.memory_space<vmem>> -> memref<8x50x128xf32, #tpu.memory_space<vmem>>
      tpu.enqueue_dma source(%dma_start3A_423 : memref<8x50x128xf32, #tpu.memory_space<vmem>>) target(%dma_start3A_419 : memref<8x50x128xf32, #tpu.memory_space<hbm>>) target_semaphore(%arg12 : memref<!tpu.dma_semaphore, #tpu.memory_space<semaphore_mem>>)
      %dma_wait3A_424 = arith.constant 0 : i32
      %dma_wait3A_425 = arith.constant 0 : i32
      %dma_wait3A_426 = arith.constant 0 : i32
      %dma_wait3A_427 = tpu.memref_slice %arg7[%dma_wait3A_424, %dma_wait3A_425, %dma_wait3A_426] : memref<8x56x128xf32, #tpu.memory_space<vmem>> -> memref<8x50x128xf32, #tpu.memory_space<vmem>>
      %dma_wait3A_428 = arith.constant 0 : i32
      %dma_wait3A_429 = arith.constant 0 : i32
      %dma_wait3A_430 = tpu.memref_slice %arg4[%add3A_11, %dma_wait3A_428, %dma_wait3A_429] : memref<4096x50x128xf32, #tpu.memory_space<hbm>> -> memref<8x50x128xf32, #tpu.memory_space<hbm>>
      %dma_wait3A_431 = arith.constant 0 : i32
      %dma_wait3A_432 = arith.constant 0 : i32
      %dma_wait3A_433 = tpu.memref_slice %arg4[%add3A_11, %dma_wait3A_431, %dma_wait3A_432] : memref<4096x50x128xf32, #tpu.memory_space<hbm>> -> memref<8x50x128xf32, #tpu.memory_space<hbm>>
      %dma_wait3A_434 = arith.constant 0 : i32
      %dma_wait3A_435 = arith.constant 0 : i32
      %dma_wait3A_436 = arith.constant 0 : i32
      %dma_wait3A_437 = tpu.memref_slice %arg7[%dma_wait3A_434, %dma_wait3A_435, %dma_wait3A_436] : memref<8x56x128xf32, #tpu.memory_space<vmem>> -> memref<8x50x128xf32, #tpu.memory_space<vmem>>
      tpu.wait_dma2 semaphore(%arg11 : memref<!tpu.dma_semaphore, #tpu.memory_space<semaphore_mem>>) src(%dma_wait3A_437 : memref<8x50x128xf32, #tpu.memory_space<vmem>>) dst(%dma_wait3A_433 : memref<8x50x128xf32, #tpu.memory_space<hbm>>)
      %dma_wait3A_438 = arith.constant 0 : i32
      %dma_wait3A_439 = arith.constant 0 : i32
      %dma_wait3A_440 = arith.constant 0 : i32
      %dma_wait3A_441 = tpu.memref_slice %arg8[%dma_wait3A_438, %dma_wait3A_439, %dma_wait3A_440] : memref<8x56x128xf32, #tpu.memory_space<vmem>> -> memref<8x50x128xf32, #tpu.memory_space<vmem>>
      %dma_wait3A_442 = arith.constant 0 : i32
      %dma_wait3A_443 = arith.constant 0 : i32
      %dma_wait3A_444 = tpu.memref_slice %arg4[%add3A_13, %dma_wait3A_442, %dma_wait3A_443] : memref<4096x50x128xf32, #tpu.memory_space<hbm>> -> memref<8x50x128xf32, #tpu.memory_space<hbm>>
      %dma_wait3A_445 = arith.constant 0 : i32
      %dma_wait3A_446 = arith.constant 0 : i32
      %dma_wait3A_447 = tpu.memref_slice %arg4[%add3A_13, %dma_wait3A_445, %dma_wait3A_446] : memref<4096x50x128xf32, #tpu.memory_space<hbm>> -> memref<8x50x128xf32, #tpu.memory_space<hbm>>
      %dma_wait3A_448 = arith.constant 0 : i32
      %dma_wait3A_449 = arith.constant 0 : i32
      %dma_wait3A_450 = arith.constant 0 : i32
      %dma_wait3A_451 = tpu.memref_slice %arg8[%dma_wait3A_448, %dma_wait3A_449, %dma_wait3A_450] : memref<8x56x128xf32, #tpu.memory_space<vmem>> -> memref<8x50x128xf32, #tpu.memory_space<vmem>>
      tpu.wait_dma2 semaphore(%arg12 : memref<!tpu.dma_semaphore, #tpu.memory_space<semaphore_mem>>) src(%dma_wait3A_451 : memref<8x50x128xf32, #tpu.memory_space<vmem>>) dst(%dma_wait3A_447 : memref<8x50x128xf32, #tpu.memory_space<hbm>>)
    }
    %scan3A_7 = arith.constant 8 : i32
    return
  }
}

</mosaic_0001>

<sc_bundles>
// kernel: kernel.3.cloned.1.call-start
scs
__scs_entry_jumppad:
0x0: {  	(pc) =	sbr.rel $0x88, $3  }
0x1: {  	(tag) =	ssettag $0x0;
	lr =	simm.s32 $0x1  }
0x2: {  	[smem:$0x3F9F] =	sst lr;
	_ =	strace $0xD0000000  }
0x3: {  	_ = 	snop  }
0x4: {  	_ = 	snop  }
0x5: {  	_ = 	snop  }
0x6: {  	_ = 	snop  }
0x7: {  	_ = 	snop  }
__scs_overlays_trampoline_lowered:
0x8: {  	[smem:$0x3FAE] =	sst s0  }
0x9: {  	[smem:$0x3FAF] =	sst s1  }
0xa: {  	[smem:$0x3FB0] =	sst s2  }
0xb: {  	[smem:$0x3FB1] =	sst s3  }
0xc: {  	[smem:$0x3FB2] =	sst s4  }
0xd: {  	[smem:$0x3FB3] =	sst s5  }
0xe: {  	[smem:$0x3FB4] =	sst s6  }
0xf: {  	[smem:$0x3FB5] =	sst s7  }
0x10: {  	[smem:$0x3FB6] =	sst s8  }
0x11: {  	[smem:$0x3FB7] =	sst s9;
	s0 =	simm.s32 @!p0 $0x0  }
0x12: {  	s1 =	sld [smem:$0x3F9D];
	s0 =	simm.s32 @p0 $0x1  }
0x13: {  	[smem:$0x3FB8] =	sst s0;
	s0 =	simm.s32 @!p1 $0x0  }
0x14: {  	s2 =	sld [smem:$0x3F9C];
	s0 =	simm.s32 @p1 $0x1  }
0x15: {  	[smem:$0x3FB9] =	sst s0;
	s0 =	simm.s32 @!p2 $0x0  }
0x16: {  	s3 =	sld [smem:$0x3FDB];
	s0 =	simm.s32 @p2 $0x1  }
0x17: {  	s4 =	simm.s32 $0x1BF5;
	[smem:$0x3FBB] =	sst s0  }
0x18: {  	s0 =	sld [smem:$0x3F9E];
	_ =	swait.ge [sflag:s4], $0x0  }
0x19: {  	s7 =	sld [smem:$0x3F9F]  }
0x1a: {  	s8 =	sadd.s32 $0xFFFFE003, lr  }
0x1b: {  	s9 =	sadd.s32 $0xFFFFFEF7, lr;
	s5 =	simm.s32 $0xFFFFFFFF;
	p2 =	slt.u32 s8, $0xFFFFF086  }
0x1c: {  	p1 =	slt.u32 s9, $0xF7A;
	s5 =	simm.s32 @!p2 $0x0  }
0x1d: {  	s5 =	simm.s32 @p1 $0x1;
	p0 =	seq.s32 s7, s2  }
0x1e: {  	s7 =	smul.u32 @!p0 $0xF7A, s2;
	p2 =	seq.s32 @!p0 s5, $0x0  }
0x1f: {  	s9 =	smul.u32 $0xF7A, s1;
	s8 =	simm.s32 @!p0 $0x1BF5;
	p2 =	por !p2, p0  }
0x20: {  	[sflag:s8] =	ssyncset.s32 @!p0 $0xFFFFF086;
	s6 =	sadd.s32 @!p0 s3, s7;
	s7 =	simm.s32 @!p0 $0x108  }
0x21: {  	s3 =	sadd.s32 s3, s9;
	s6 =	sadd.s32 @!p0 $0x88, s6;
	s7 =	simm.s32 @p2 $0x1082  }
0x22: {  	[simem:s7], [sflag:s8] =	dma.local @!p0 [hbm:s6], $0xF7A  }
0x23: {  	s9 =	sor.u32 $0xD0000000, s2;
	s6 =	simm.s32 $0x108;
	_ =	swait.ge @!p0 [sflag:s8], $0x0  }
0x24: {  	s3 =	sadd.s32 $0x88, s3;
	s6 =	simm.s32 @!p1 $0x1082;
	[sflag:s4] =	ssyncset.s32 $0xFFFFF086  }
0x25: {  	[simem:s6], [sflag:s4] =	dma.local [hbm:s3], $0xF7A  }
0x26: {  	[smem:$0x3F9F] =	sst s1;
	(tag) =	ssettag s2;
	_ =	strace s9  }
0x27: {  	s1 =	sld [smem:$0x3FAF]  }
0x28: {  	s2 =	sld [smem:$0x3FB0]  }
0x29: {  	s4 =	sld [smem:$0x3FB2]  }
0x2a: {  	p0 =	seq.s32 s5, $0x0;
	s5 =	sld [smem:$0x3FB3]  }
0x2b: {  	s6 =	sld [smem:$0x3FB4]  }
0x2c: {  	s7 =	sld [smem:$0x3FB5]  }
0x2d: {  	s3 =	simm.s32 $0x108;
	s8 =	sld [smem:$0x3FB6]  }
0x2e: {  	s3 =	simm.s32 @!p0 $0x1082;
	s9 =	sld [smem:$0x3FB7]  }
0x2f: {  	lr =	sadd.s32 s0, s3;
	s0 =	sld [smem:$0x3FAE]  }
0x30: {  	s3 =	sld [smem:$0x3FB1]  }
0x31: {  	[smem:$0x3FBA] =	sst s10  }
0x32: {  	s10 =	sld [smem:$0x3FB8];
	_ =	sdelay $0x3  }
0x33: {  	p0 =	seq.s32 s10, $0x1;
	s10 =	sld [smem:$0x3FBA];
	_ =	sdelay $0x3  }
0x34: {  	[smem:$0x3FBA] =	sst s10  }
0x35: {  	s10 =	sld [smem:$0x3FB9];
	_ =	sdelay $0x3  }
0x36: {  	p1 =	seq.s32 s10, $0x1;
	s10 =	sld [smem:$0x3FBA];
	_ =	sdelay $0x3  }
0x37: {  	[smem:$0x3FBA] =	sst s10  }
0x38: {  	s10 =	sld [smem:$0x3FBB]  }
0x39: {  	_ = 	snop;
	(pc) =	sbr.ind lr, $3  }
0x3a: {  	_ = 	snop  }
0x3b: {  	_ = 	snop  }
0x3c: {  	p2 =	seq.s32 s10, $0x1;
	s10 =	sld [smem:$0x3FBA]  }
0x3d: {  	_ =	shalt  }
0x3e: {  	_ =	shalt  }
0x3f: {  	_ =	shalt  }
0x40: {  	_ =	shalt  }
0x41: {  	_ =	shalt  }
0x42: {  	_ =	shalt  }
0x43: {  	_ =	shalt  }
0x44: {  	_ =	shalt  }
0x45: {  	_ =	shalt  }
0x46: {  	_ =	shalt  }
0x47: {  	_ =	shalt  }
0x48: {  	_ =	shalt  }
0x49: {  	_ =	shalt  }
0x4a: {  	_ =	shalt  }
0x4b: {  	_ =	shalt  }
0x4c: {  	_ =	shalt  }
0x4d: {  	_ =	shalt  }
0x4e: {  	_ =	shalt  }
0x4f: {  	_ =	shalt  }
0x50: {  	_ =	shalt  }
0x51: {  	_ =	shalt  }
0x52: {  	_ =	shalt  }
0x53: {  	_ =	shalt  }
0x54: {  	_ =	shalt  }
0x55: {  	_ =	shalt  }
0x56: {  	_ =	shalt  }
0x57: {  	_ =	shalt  }
0x58: {  	_ =	shalt  }
0x59: {  	_ =	shalt  }
0x5a: {  	_ =	shalt  }
0x5b: {  	_ =	shalt  }
0x5c: {  	_ =	shalt  }
0x5d: {  	_ =	shalt  }
0x5e: {  	_ =	shalt  }
0x5f: {  	_ =	shalt  }
0x60: {  	_ =	shalt  }
0x61: {  	_ =	shalt  }
0x62: {  	_ =	shalt  }
0x63: {  	_ =	shalt  }
0x64: {  	_ =	shalt  }
0x65: {  	_ =	shalt  }
0x66: {  	_ =	shalt  }
0x67: {  	_ =	shalt  }
0x68: {  	_ =	shalt  }
0x69: {  	_ =	shalt  }
0x6a: {  	_ =	shalt  }
0x6b: {  	_ =	shalt  }
0x6c: {  	_ =	shalt  }
0x6d: {  	_ =	shalt  }
0x6e: {  	_ =	shalt  }
0x6f: {  	_ =	shalt  }
0x70: {  	_ =	shalt  }
0x71: {  	_ =	shalt  }
0x72: {  	_ =	shalt  }
0x73: {  	_ =	shalt  }
0x74: {  	_ =	shalt  }
0x75: {  	_ =	shalt  }
0x76: {  	_ =	shalt  }
0x77: {  	_ =	shalt  }
0x78: {  	_ =	shalt  }
0x79: {  	_ =	shalt  }
0x7a: {  	_ =	shalt  }
0x7b: {  	_ =	shalt  }
0x7c: {  	_ =	shalt  }
0x7d: {  	_ =	shalt  }
0x7e: {  	_ =	shalt  }
0x7f: {  	_ =	shalt  }
0x80: {  	_ =	shalt  }
0x81: {  	_ =	shalt  }
0x82: {  	_ =	shalt  }
0x83: {  	_ =	shalt  }
0x84: {  	_ =	shalt  }
0x85: {  	_ =	shalt  }
0x86: {  	_ =	shalt  }
0x87: {  	_ =	shalt  }
.Lfunc_end0:
.L_simem_size_0:
called_computation_lowered:
.L_overlay_start_0:
0x88: {  	s2 =	sld [smem:$0x3FD9]  }
0x89: {  	s3 =	sld [smem:$0x3FFE];
	_ =	sdelay $0x1  }
0x8a: {  	s1 =	srdreg.scid  }
0x8b: {  	s0 =	sand.u32 $0x1, s1  }
0x8c: {  	s17 =	sshll.u32 s0, $0xA;
	s2 =	sadd.s32 s3, s2  }
0x8d: {  	s2 =	sadd.s32 s2, s17  }
0x8e: {  	[smem:$0x3FC6] =	sst s2  }
0x8f: {  	_ = 	snop  }
0x90: {  	s2 =	sld [smem:$0x3FC8]  }
0x91: {  	s18 =	sld [smem:$0x3FD0];
	(tm) =	ssettm $0x1  }
0x92: {  	s4 =	sld [smem:$0x3FFB];
	_ =	sdelay $0x3  }
0x93: {  	_ =	strace s4  }
0x94: {  	s4 =	sld [smem:$0x3FFC];
	_ =	sdelay $0x3  }
0x95: {  	_ =	strace s4  }
0x96: {  	s4 =	sld [smem:$0x3FFD];
	_ =	sdelay $0x3  }
0x97: {  	_ =	strace s4  }
0x98: {  	_ =	strace $0x8FFFFFFF  }
0x99: {  	s19 =	sld [smem:$0x3FDB];
	_ =	sdelay $0x1  }
0x9a: {  	s5 =	simm.s32 $_scs_section_size  }
0x9b: {  	s6 =	simm.s32 $_size__tile_overlayer_lowered;
	s7 =	simm.s32 $_tile_overlayer_lowered  }
0x9c: {  	s22 =	simm.s32 $0x1BFF;
	s21 =	sshll.u32 s7, $0x1;
	s4 =	sadd.s32 s5, s19  }
0x9d: {  	s8 =	simm.s32 $0x0;
	s20 =	sshll.u32 s6, $0x1;
	s6 =	sadd.s32 s21, s4  }
0x9e: {  	[timem:s8], [sflag:s22] =	dma.local [hbm:s6], s20  }
0x9f: {  	_ =	swait.ge [sflag:s22], s20  }
0xa0: {  	s5 =	ssub.s32 $0x0, s20;
	[sflag:s22] =	ssyncset.done $0x0  }
0xa1: {  	[sflag:s22] =	ssyncadd.s32 s5;
	_ =	sdelay $0x1  }
0xa2: {  	s23 =	simm.s32 $0x1B8B  }
0xa3: {  	_ =	swait.ge [sflag:s23], $0x1  }
0xa4: {  	[sflag:s23] =	ssyncset.done $0x0  }
0xa5: {  	s25 =	simm.s32 $0x1B8E;
	s24 =	sld [smem:$0x3FFE];
	[sflag:s23] =	ssyncadd.s32 $0xFFFFFFFF  }
0xa6: {  	s26 =	simm.s32 $execute0_lowered;
	[smem:$0x3FD2] =	sst s25  }
0xa7: {  	s6 =	sshll.u32 s26, $0x1;
	_ =	strace $0x80000046;
	[dreg:$0x1] =	wrdreg $0xFFFFFFFF  }
0xa8: {  	s28 =	simm.s32 $_size_execute0_lowered;
	s4 =	sadd.s32 s4, s6;
	[dreg:$0x0] =	wrdreg $0x0  }
0xa9: {  	s6 =	sshll.u32 s28, $0x1;
	[dreg:$0x2] =	wrdreg s4  }
0xaa: {  	[dreg:$0x3] =	wrdreg s6  }
0xab: {  	[dreg:$0x4] =	wrdreg $0xC0  }
0xac: {  	_ =	task [dreg:s8], $0x5FFFF  }
0xad: {  	[dreg:$0x1] =	wrdreg $0xFFFFFFFF  }
0xae: {  	[dreg:$0x0] =	wrdreg $0x60  }
0xaf: {  	[dreg:$0x2] =	wrdreg s18  }
0xb0: {  	[dreg:$0x3] =	wrdreg s2  }
0xb1: {  	[dreg:$0x4] =	wrdreg s24  }
0xb2: {  	[dreg:$0x5] =	wrdreg $0x9  }
0xb3: {  	_ =	task.clear_ibuf [dreg:s8], $0x6FFFF;
	_ =	strace $0x90000046  }
0xb4: {  	s29 =	simm.s32 $0x9;
	_ =	strace $0x80000048  }
0xb5: {  	_ =	swait.ge [sflag:s29], $0x1  }
0xb6: {  	[sflag:s29] =	ssyncadd.s32 $0xFFFFFFFF  }
0xb7: {  	_ =	strace $0x90000048  }
0xb8: {  	_ =	sfence  }
0xb9: {  	s30 =	sld [smem:$0x0];
	_ =	sdelay $0x2  }
0xba: {  	s31 =	sshll.u32 s1, $0xD;
	s1 =	sshrl.u32 s1, $0x2  }
0xbb: {  	s3 =	sand.u32 $0x4000, s31;
	s1 =	sadd.s32 s1, s30  }
0xbc: {  	s0 =	sor.u32 s3, s0;
	s1 =	sshll.u32 s1, $0x11  }
0xbd: {  	s0 =	sor.u32 s1, s0  }
0xbe: {  	s0 =	sadd.s32 $0x8F2B, s0  }
0xbf: {  	[sflag:s0] =	ssyncadd.remote.s32 $0x1  }
0xc0: {  	_ =	sfence.sel $0xFFFF  }
0xc1: {  	[dreg:$0x0] =	wrdreg $0xFFFFFFFF;
	(pc) =	sbr.abs _section_cstart, $3  }
0xc2: {  	[dreg:$0x1] =	wrdreg $0xFFFFFFFF  }
0xc3: {  	_ =	task.clear_ibuf [dreg:s8], $0x2FFFF;
	_ =	strace $0x9FFFFFFF  }
0xc4: {  	(tm) =	ssettm $0x7FFFFFFF  }
0xc5: {  	_ =	shalt  }
tec
execute0_lowered:
.L_overlay_start_1:
0x0: {  	(tag) =	ssettag $0x1  }
0x1: {  	s0 =	rddreg [dreg:$0x0]  }
0x2: {  	s2 =	rddreg [dreg:$0x1]  }
0x3: {  	s1 =	rddreg [dreg:$0x2];
	s7 =	stileid.u32;
	s3 =	simm.s32 $0x0  }
0x4: {  	s5 =	srdreg.scid;
	s15 =	simm.s32 $0x80;
	s9 =	simm.s32 $0x2400  }
0x5: {  	s16 =	simm.s32 $0x100;
	s10 =	simm.s32 $0x4000;
	s17 =	simm.s32 $0x180  }
0x6: {  	s11 =	simm.s32 $0x5C00;
	s18 =	simm.s32 $0x200;
	s12 =	simm.s32 $0x7800  }
0x7: {  	s19 =	simm.s32 $0x280;
	s20 =	simm.s32 $0x300;
	[smem:$0x7FF] =	sst s3  }
0x8: {  	s21 =	simm.s32 $0x380;
	_ =	strace $0x80000047;
	[dreg:$0x5] =	wrdreg s15  }
0x9: {  	s22 =	simm.s32 $0x480;
	s23 =	simm.s32 $0x500;
	[dreg:$0x6] =	wrdreg s16  }
0xa: {  	s24 =	simm.s32 $0x580;
	s25 =	simm.s32 $0x600;
	[dreg:$0x7] =	wrdreg s17  }
0xb: {  	s26 =	simm.s32 $0x680;
	s30 =	simm.s32 $0x700;
	[dreg:$0x8] =	wrdreg s18  }
0xc: {  	s31 =	simm.s32 $0x780;
	s28 =	simm.s32 $0x3;
	[dreg:$0x9] =	wrdreg s19  }
0xd: {  	s29 =	simm.s32 $0x4;
	s4 =	smul.u32 $0x38000, s7;
	[dreg:$0xa] =	wrdreg s20  }
0xe: {  	s5 =	sand.u32 $0x1, s5;
	s7 =	sshll.u32 s7, $0xC;
	[dreg:$0xb] =	wrdreg s21  }
0xf: {  	s13 =	ssub.s32 $0x2, s5;
	s8 =	smul.u32 $0x1C000, s5;
	[dreg:$0xc] =	wrdreg s22  }
0x10: {  	s0 =	sadd.s32 s7, s0;
	s5 =	sshll.u32 s5, $0xB;
	[dreg:$0xd] =	wrdreg s23  }
0x11: {  	s7 =	simm.s32 $0x32;
	s15 =	simm.s32 $0xCC00;
	[dreg:$0xe] =	wrdreg s24  }
0x12: {  	s16 =	simm.s32 $0x400;
	s17 =	simm.s32 $0xE800;
	[dreg:$0xf] =	wrdreg s25  }
0x13: {  	s18 =	simm.s32 $0x10400;
	s19 =	simm.s32 $0x12000;
	[dreg:$0x10] =	wrdreg s26  }
0x14: {  	s20 =	simm.s32 $0x13C00;
	s21 =	simm.s32 $0x15800;
	[dreg:$0x11] =	wrdreg s30  }
0x15: {  	s22 =	simm.s32 $0x17400;
	s23 =	simm.s32 $0x19000;
	[dreg:$0x12] =	wrdreg s31  }
0x16: {  	s24 =	simm.s32 $0x1AC00;
	s25 =	simm.s32 $0x1;
	s26 =	simm.s32 $0x2  }
0x17: {  	s1 =	sadd.s32 s4, s1;
	s6 =	sshrl.u32 s13, $0x1;
	s0 =	sadd.s32 s5, s0  }
0x18: {  	s4 =	ssub.s32 s13, s6;
	s1 =	sadd.s32 s8, s1;
	[dreg:$0x4] =	wrdreg s0  }
0x19: {  	s6 =	simm.s32 $0x5;
	s8 =	simm.s32 $0x800;
	s4 =	smax.u32 s4, $0x1  }
0x1a: {  	s13 =	simm.s32 $0x9400;
	s14 =	sadd.s32 $0x2000, s1;
	[dreg:$0x13] =	wrdreg s4  }
0x1b: {  	s1 =	simm.s32 $0x0;
	[dreg:$0x14] =	wrdreg s14;
	s14 =	simm.s32 $0xB000  }
.LBB2_1:
0x1c: {  	s0 =	rddreg [dreg:$0x4]  }
0x1d: {  	[dreg:$0x15] =	wrdreg s1;
	s0 =	sadd.s32 $0x0, s0  }
0x1e: {  	[tilespmem:s3], [sflag:$0x5] =	stream.linear.gather [hbm4b:s0+s3], $0x400, $0x38;
	[tilespmem:$0x1C800] =	vst v63  }
0x1f: {  	_ =	swait.ge [sflag:s6], $0x400  }
0x20: {  	[sflag:s6] =	ssyncset.done $0x0  }
0x21: {  	[sflag:s6] =	ssyncadd.s32 $0xFFFFFC00  }
0x22: {  	[tilespmem:s8], [sflag:$0x1] =	stream.indirect.gather [hbm4b:s2+s7], $0x80, s3, s7, $0xb8;
	[tilespmem:$0x1C800] =	vst v63  }
0x23: {  	s5 =	rddreg [dreg:$0x5]  }
0x24: {  	[tilespmem:s9], [sflag:$0x1] =	stream.indirect.gather [hbm4b:s2+s7], $0x80, s5, s7, $0xb8;
	[tilespmem:$0x1C800] =	vst v63  }
0x25: {  	s4 =	rddreg [dreg:$0x6]  }
0x26: {  	[tilespmem:s10], [sflag:$0x1] =	stream.indirect.gather [hbm4b:s2+s7], $0x80, s4, s7, $0xb8;
	[tilespmem:$0x1C800] =	vst v63  }
0x27: {  	s30 =	rddreg [dreg:$0x7]  }
0x28: {  	[tilespmem:s11], [sflag:$0x1] =	stream.indirect.gather [hbm4b:s2+s7], $0x80, s30, s7, $0xb8;
	[tilespmem:$0x1C800] =	vst v63  }
0x29: {  	s5 =	rddreg [dreg:$0x8]  }
0x2a: {  	[tilespmem:s12], [sflag:$0x1] =	stream.indirect.gather [hbm4b:s2+s7], $0x80, s5, s7, $0xb8;
	[tilespmem:$0x1C800] =	vst v63  }
0x2b: {  	s30 =	rddreg [dreg:$0x9]  }
0x2c: {  	[tilespmem:s13], [sflag:$0x1] =	stream.indirect.gather [hbm4b:s2+s7], $0x80, s30, s7, $0xb8;
	[tilespmem:$0x1C800] =	vst v63  }
0x2d: {  	s5 =	rddreg [dreg:$0xa]  }
0x2e: {  	[tilespmem:s14], [sflag:$0x1] =	stream.indirect.gather [hbm4b:s2+s7], $0x80, s5, s7, $0xb8;
	[tilespmem:$0x1C800] =	vst v63  }
0x2f: {  	s30 =	rddreg [dreg:$0xb]  }
0x30: {  	[tilespmem:s15], [sflag:$0x1] =	stream.indirect.gather [hbm4b:s2+s7], $0x80, s30, s7, $0xb8;
	[tilespmem:$0x1C800] =	vst v63  }
0x31: {  	s0 =	sadd.s32 $0x80, s0  }
0x32: {  	[tilespmem:s16], [sflag:$0x5] =	stream.linear.gather [hbm4b:s0+s3], $0x400, $0x38;
	[tilespmem:$0x1C800] =	vst v63  }
0x33: {  	_ =	swait.ge [sflag:s6], $0x400  }
0x34: {  	[sflag:s6] =	ssyncset.done $0x0  }
0x35: {  	[sflag:s6] =	ssyncadd.s32 $0xFFFFFC00  }
0x36: {  	[tilespmem:s17], [sflag:$0x2] =	stream.indirect.gather [hbm4b:s2+s7], $0x80, s16, s7, $0xb8;
	[tilespmem:$0x1C800] =	vst v63  }
0x37: {  	s1 =	rddreg [dreg:$0xc]  }
0x38: {  	[tilespmem:s18], [sflag:$0x2] =	stream.indirect.gather [hbm4b:s2+s7], $0x80, s1, s7, $0xb8;
	[tilespmem:$0x1C800] =	vst v63  }
0x39: {  	s4 =	rddreg [dreg:$0xd]  }
0x3a: {  	[tilespmem:s19], [sflag:$0x2] =	stream.indirect.gather [hbm4b:s2+s7], $0x80, s4, s7, $0xb8;
	[tilespmem:$0x1C800] =	vst v63  }
0x3b: {  	s5 =	rddreg [dreg:$0xe]  }
0x3c: {  	[tilespmem:s20], [sflag:$0x2] =	stream.indirect.gather [hbm4b:s2+s7], $0x80, s5, s7, $0xb8;
	[tilespmem:$0x1C800] =	vst v63  }
0x3d: {  	s30 =	rddreg [dreg:$0xf]  }
0x3e: {  	[tilespmem:s21], [sflag:$0x2] =	stream.indirect.gather [hbm4b:s2+s7], $0x80, s30, s7, $0xb8;
	[tilespmem:$0x1C800] =	vst v63  }
0x3f: {  	s4 =	rddreg [dreg:$0x10]  }
0x40: {  	[tilespmem:s22], [sflag:$0x2] =	stream.indirect.gather [hbm4b:s2+s7], $0x80, s4, s7, $0xb8;
	[tilespmem:$0x1C800] =	vst v63  }
0x41: {  	s5 =	rddreg [dreg:$0x11]  }
0x42: {  	[tilespmem:s23], [sflag:$0x2] =	stream.indirect.gather [hbm4b:s2+s7], $0x80, s5, s7, $0xb8;
	[tilespmem:$0x1C800] =	vst v63  }
0x43: {  	s30 =	rddreg [dreg:$0x12]  }
0x44: {  	[tilespmem:s24], [sflag:$0x2] =	stream.indirect.gather [hbm4b:s2+s7], $0x80, s30, s7, $0xb8;
	[tilespmem:$0x1C800] =	vst v63  }
0x45: {  	_ =	swait.ge [sflag:s25], $0x1900  }
0x46: {  	[sflag:s25] =	ssyncset.done $0x0  }
0x47: {  	[sflag:s25] =	ssyncadd.s32 $0xFFFFE700  }
0x48: {  	_ =	swait.ge [sflag:s25], $0x1900  }
0x49: {  	[sflag:s25] =	ssyncset.done $0x0  }
0x4a: {  	[sflag:s25] =	ssyncadd.s32 $0xFFFFE700  }
0x4b: {  	_ =	swait.ge [sflag:s25], $0x1900  }
0x4c: {  	[sflag:s25] =	ssyncset.done $0x0  }
0x4d: {  	[sflag:s25] =	ssyncadd.s32 $0xFFFFE700  }
0x4e: {  	_ =	swait.ge [sflag:s25], $0x1900  }
0x4f: {  	[sflag:s25] =	ssyncset.done $0x0  }
0x50: {  	[sflag:s25] =	ssyncadd.s32 $0xFFFFE700  }
0x51: {  	_ =	swait.ge [sflag:s25], $0x1900  }
0x52: {  	[sflag:s25] =	ssyncset.done $0x0  }
0x53: {  	[sflag:s25] =	ssyncadd.s32 $0xFFFFE700  }
0x54: {  	_ =	swait.ge [sflag:s25], $0x1900  }
0x55: {  	[sflag:s25] =	ssyncset.done $0x0  }
0x56: {  	[sflag:s25] =	ssyncadd.s32 $0xFFFFE700  }
0x57: {  	_ =	swait.ge [sflag:s25], $0x1900  }
0x58: {  	[sflag:s25] =	ssyncset.done $0x0  }
0x59: {  	[sflag:s25] =	ssyncadd.s32 $0xFFFFE700  }
0x5a: {  	_ =	swait.ge [sflag:s25], $0x1900  }
0x5b: {  	[sflag:s25] =	ssyncset.done $0x0;
	s31 =	rddreg [dreg:$0x14]  }
0x5c: {  	[sflag:s25] =	ssyncadd.s32 $0xFFFFE700;
	s4 =	sadd.s32 $0xFFFFE400, s31  }
0x5d: {  	[hbm4b:s4+s3] =	stream.linear.scatter [tilespmem:s8], [sflag:$0x3], $0x1900, $0x38;
	[tilespmem:$0x1C800] =	vst v63  }
0x5e: {  	s5 =	sadd.s32 $0xFFFFE780, s31  }
0x5f: {  	[hbm4b:s5+s3] =	stream.linear.scatter [tilespmem:s9], [sflag:$0x3], $0x1900, $0x38;
	[tilespmem:$0x1C800] =	vst v63  }
0x60: {  	s30 =	sadd.s32 $0xFFFFEB00, s31  }
0x61: {  	[hbm4b:s30+s3] =	stream.linear.scatter [tilespmem:s10], [sflag:$0x3], $0x1900, $0x38;
	[tilespmem:$0x1C800] =	vst v63  }
0x62: {  	s1 =	sadd.s32 $0xFFFFEE80, s31  }
0x63: {  	[hbm4b:s1+s3] =	stream.linear.scatter [tilespmem:s11], [sflag:$0x3], $0x1900, $0x38;
	[tilespmem:$0x1C800] =	vst v63  }
0x64: {  	s4 =	sadd.s32 $0xFFFFF200, s31  }
0x65: {  	[hbm4b:s4+s3] =	stream.linear.scatter [tilespmem:s12], [sflag:$0x3], $0x1900, $0x38;
	[tilespmem:$0x1C800] =	vst v63  }
0x66: {  	s5 =	sadd.s32 $0xFFFFF580, s31  }
0x67: {  	[hbm4b:s5+s3] =	stream.linear.scatter [tilespmem:s13], [sflag:$0x3], $0x1900, $0x38;
	[tilespmem:$0x1C800] =	vst v63  }
0x68: {  	s30 =	sadd.s32 $0xFFFFF900, s31  }
0x69: {  	[hbm4b:s30+s3] =	stream.linear.scatter [tilespmem:s14], [sflag:$0x3], $0x1900, $0x38;
	[tilespmem:$0x1C800] =	vst v63  }
0x6a: {  	s1 =	sadd.s32 $0xFFFFFC80, s31  }
0x6b: {  	[hbm4b:s1+s3] =	stream.linear.scatter [tilespmem:s15], [sflag:$0x3], $0x1900, $0x38;
	[tilespmem:$0x1C800] =	vst v63  }
0x6c: {  	_ =	swait.ge [sflag:s26], $0x1900  }
0x6d: {  	[sflag:s26] =	ssyncset.done $0x0  }
0x6e: {  	[sflag:s26] =	ssyncadd.s32 $0xFFFFE700  }
0x6f: {  	_ =	swait.ge [sflag:s26], $0x1900  }
0x70: {  	[sflag:s26] =	ssyncset.done $0x0  }
0x71: {  	[sflag:s26] =	ssyncadd.s32 $0xFFFFE700  }
0x72: {  	_ =	swait.ge [sflag:s26], $0x1900  }
0x73: {  	[sflag:s26] =	ssyncset.done $0x0  }
0x74: {  	[sflag:s26] =	ssyncadd.s32 $0xFFFFE700  }
0x75: {  	_ =	swait.ge [sflag:s26], $0x1900  }
0x76: {  	[sflag:s26] =	ssyncset.done $0x0  }
0x77: {  	[sflag:s26] =	ssyncadd.s32 $0xFFFFE700  }
0x78: {  	_ =	swait.ge [sflag:s26], $0x1900  }
0x79: {  	[sflag:s26] =	ssyncset.done $0x0  }
0x7a: {  	[sflag:s26] =	ssyncadd.s32 $0xFFFFE700  }
0x7b: {  	_ =	swait.ge [sflag:s26], $0x1900  }
0x7c: {  	[sflag:s26] =	ssyncset.done $0x0  }
0x7d: {  	[sflag:s26] =	ssyncadd.s32 $0xFFFFE700  }
0x7e: {  	_ =	swait.ge [sflag:s26], $0x1900  }
0x7f: {  	[sflag:s26] =	ssyncset.done $0x0  }
0x80: {  	[sflag:s26] =	ssyncadd.s32 $0xFFFFE700  }
0x81: {  	_ =	swait.ge [sflag:s26], $0x1900  }
0x82: {  	[sflag:s26] =	ssyncset.done $0x0  }
0x83: {  	[sflag:s26] =	ssyncadd.s32 $0xFFFFE700  }
0x84: {  	[hbm4b:s31+s3] =	stream.linear.scatter [tilespmem:s17], [sflag:$0x4], $0x1900, $0x38;
	[tilespmem:$0x1C800] =	vst v63  }
0x85: {  	s4 =	sadd.s32 $0x380, s31  }
0x86: {  	[hbm4b:s4+s3] =	stream.linear.scatter [tilespmem:s18], [sflag:$0x4], $0x1900, $0x38;
	[tilespmem:$0x1C800] =	vst v63  }
0x87: {  	s5 =	sadd.s32 $0x700, s31  }
0x88: {  	[hbm4b:s5+s3] =	stream.linear.scatter [tilespmem:s19], [sflag:$0x4], $0x1900, $0x38;
	[tilespmem:$0x1C800] =	vst v63  }
0x89: {  	s30 =	sadd.s32 $0xA80, s31  }
0x8a: {  	[hbm4b:s30+s3] =	stream.linear.scatter [tilespmem:s20], [sflag:$0x4], $0x1900, $0x38;
	[tilespmem:$0x1C800] =	vst v63  }
0x8b: {  	s1 =	sadd.s32 $0xE00, s31  }
0x8c: {  	[hbm4b:s1+s3] =	stream.linear.scatter [tilespmem:s21], [sflag:$0x4], $0x1900, $0x38;
	[tilespmem:$0x1C800] =	vst v63  }
0x8d: {  	s4 =	sadd.s32 $0x1180, s31  }
0x8e: {  	[hbm4b:s4+s3] =	stream.linear.scatter [tilespmem:s22], [sflag:$0x4], $0x1900, $0x38;
	[tilespmem:$0x1C800] =	vst v63  }
0x8f: {  	s5 =	sadd.s32 $0x1500, s31  }
0x90: {  	[hbm4b:s5+s3] =	stream.linear.scatter [tilespmem:s23], [sflag:$0x4], $0x1900, $0x38;
	[tilespmem:$0x1C800] =	vst v63  }
0x91: {  	s30 =	sadd.s32 $0x1880, s31  }
0x92: {  	[hbm4b:s30+s3] =	stream.linear.scatter [tilespmem:s24], [sflag:$0x4], $0x1900, $0x38;
	[tilespmem:$0x1C800] =	vst v63  }
0x93: {  	_ =	swait.ge [sflag:s28], $0xC800  }
0x94: {  	[sflag:s28] =	ssyncset.done $0x0  }
0x95: {  	[sflag:s28] =	ssyncadd.s32 $0xFFFF3800  }
0x96: {  	s0 =	simm.s32 $0x100;
	_ =	swait.ge [sflag:s29], $0xC800  }
0x97: {  	s1 =	simm.s32 $0x200;
	s4 =	rddreg [dreg:$0x4];
	[sflag:s29] =	ssyncset.done $0x0  }
.LBB2_2:
0x98: {  	[sflag:s29] =	ssyncadd.s32 $0xFFFF3800;
	s4 =	sadd.s32 s0, s4  }
0x99: {  	[tilespmem:s3], [sflag:$0x5] =	stream.linear.gather [hbm4b:s4+s3], $0x400, $0x38;
	[tilespmem:$0x1C800] =	vst v63  }
0x9a: {  	_ =	swait.ge [sflag:s6], $0x400  }
0x9b: {  	[sflag:s6] =	ssyncset.done $0x0  }
0x9c: {  	s30 =	smov.u32 s1;
	[sflag:s6] =	ssyncadd.s32 $0xFFFFFC00  }
0x9d: {  	[tilespmem:s8], [sflag:$0x1] =	stream.indirect.gather [hbm4b:s2+s7], $0x80, s3, s7, $0xb8;
	[tilespmem:$0x1C800] =	vst v63  }
0x9e: {  	s0 =	smov.u32 s30;
	s30 =	rddreg [dreg:$0x5]  }
0x9f: {  	[tilespmem:s9], [sflag:$0x1] =	stream.indirect.gather [hbm4b:s2+s7], $0x80, s30, s7, $0xb8;
	[tilespmem:$0x1C800] =	vst v63  }
0xa0: {  	s5 =	rddreg [dreg:$0x6]  }
0xa1: {  	[tilespmem:s10], [sflag:$0x1] =	stream.indirect.gather [hbm4b:s2+s7], $0x80, s5, s7, $0xb8;
	[tilespmem:$0x1C800] =	vst v63  }
0xa2: {  	s30 =	rddreg [dreg:$0x7]  }
0xa3: {  	[tilespmem:s11], [sflag:$0x1] =	stream.indirect.gather [hbm4b:s2+s7], $0x80, s30, s7, $0xb8;
	[tilespmem:$0x1C800] =	vst v63  }
0xa4: {  	s5 =	rddreg [dreg:$0x8]  }
0xa5: {  	[tilespmem:s12], [sflag:$0x1] =	stream.indirect.gather [hbm4b:s2+s7], $0x80, s5, s7, $0xb8;
	[tilespmem:$0x1C800] =	vst v63  }
0xa6: {  	s30 =	rddreg [dreg:$0x9]  }
0xa7: {  	[tilespmem:s13], [sflag:$0x1] =	stream.indirect.gather [hbm4b:s2+s7], $0x80, s30, s7, $0xb8;
	[tilespmem:$0x1C800] =	vst v63  }
0xa8: {  	s5 =	rddreg [dreg:$0xa]  }
0xa9: {  	[tilespmem:s14], [sflag:$0x1] =	stream.indirect.gather [hbm4b:s2+s7], $0x80, s5, s7, $0xb8;
	[tilespmem:$0x1C800] =	vst v63  }
0xaa: {  	s30 =	rddreg [dreg:$0xb]  }
0xab: {  	[tilespmem:s15], [sflag:$0x1] =	stream.indirect.gather [hbm4b:s2+s7], $0x80, s30, s7, $0xb8;
	[tilespmem:$0x1C800] =	vst v63  }
0xac: {  	s4 =	sadd.s32 $0x80, s4  }
0xad: {  	[tilespmem:s16], [sflag:$0x5] =	stream.linear.gather [hbm4b:s4+s3], $0x400, $0x38;
	[tilespmem:$0x1C800] =	vst v63  }
0xae: {  	_ =	swait.ge [sflag:s6], $0x400  }
0xaf: {  	[sflag:s6] =	ssyncset.done $0x0  }
0xb0: {  	[sflag:s6] =	ssyncadd.s32 $0xFFFFFC00  }
0xb1: {  	[tilespmem:s17], [sflag:$0x2] =	stream.indirect.gather [hbm4b:s2+s7], $0x80, s16, s7, $0xb8;
	[tilespmem:$0x1C800] =	vst v63  }
0xb2: {  	s30 =	rddreg [dreg:$0xc]  }
0xb3: {  	[tilespmem:s18], [sflag:$0x2] =	stream.indirect.gather [hbm4b:s2+s7], $0x80, s30, s7, $0xb8;
	[tilespmem:$0x1C800] =	vst v63  }
0xb4: {  	s5 =	rddreg [dreg:$0xd]  }
0xb5: {  	[tilespmem:s19], [sflag:$0x2] =	stream.indirect.gather [hbm4b:s2+s7], $0x80, s5, s7, $0xb8;
	[tilespmem:$0x1C800] =	vst v63  }
0xb6: {  	s30 =	rddreg [dreg:$0xe]  }
0xb7: {  	[tilespmem:s20], [sflag:$0x2] =	stream.indirect.gather [hbm4b:s2+s7], $0x80, s30, s7, $0xb8;
	[tilespmem:$0x1C800] =	vst v63  }
0xb8: {  	s5 =	rddreg [dreg:$0xf]  }
0xb9: {  	[tilespmem:s21], [sflag:$0x2] =	stream.indirect.gather [hbm4b:s2+s7], $0x80, s5, s7, $0xb8;
	[tilespmem:$0x1C800] =	vst v63  }
0xba: {  	s30 =	rddreg [dreg:$0x10]  }
0xbb: {  	[tilespmem:s22], [sflag:$0x2] =	stream.indirect.gather [hbm4b:s2+s7], $0x80, s30, s7, $0xb8;
	[tilespmem:$0x1C800] =	vst v63  }
0xbc: {  	s5 =	rddreg [dreg:$0x11]  }
0xbd: {  	[tilespmem:s23], [sflag:$0x2] =	stream.indirect.gather [hbm4b:s2+s7], $0x80, s5, s7, $0xb8;
	[tilespmem:$0x1C800] =	vst v63  }
0xbe: {  	s30 =	rddreg [dreg:$0x12]  }
0xbf: {  	[tilespmem:s24], [sflag:$0x2] =	stream.indirect.gather [hbm4b:s2+s7], $0x80, s30, s7, $0xb8;
	[tilespmem:$0x1C800] =	vst v63  }
0xc0: {  	_ =	swait.ge [sflag:s25], $0x1900  }
0xc1: {  	[sflag:s25] =	ssyncset.done $0x0  }
0xc2: {  	[sflag:s25] =	ssyncadd.s32 $0xFFFFE700  }
0xc3: {  	_ =	swait.ge [sflag:s25], $0x1900  }
0xc4: {  	[sflag:s25] =	ssyncset.done $0x0  }
0xc5: {  	[sflag:s25] =	ssyncadd.s32 $0xFFFFE700  }
0xc6: {  	_ =	swait.ge [sflag:s25], $0x1900  }
0xc7: {  	[sflag:s25] =	ssyncset.done $0x0  }
0xc8: {  	[sflag:s25] =	ssyncadd.s32 $0xFFFFE700  }
0xc9: {  	_ =	swait.ge [sflag:s25], $0x1900  }
0xca: {  	[sflag:s25] =	ssyncset.done $0x0  }
0xcb: {  	[sflag:s25] =	ssyncadd.s32 $0xFFFFE700  }
0xcc: {  	_ =	swait.ge [sflag:s25], $0x1900  }
0xcd: {  	[sflag:s25] =	ssyncset.done $0x0  }
0xce: {  	[sflag:s25] =	ssyncadd.s32 $0xFFFFE700  }
0xcf: {  	_ =	swait.ge [sflag:s25], $0x1900  }
0xd0: {  	[sflag:s25] =	ssyncset.done $0x0  }
0xd1: {  	[sflag:s25] =	ssyncadd.s32 $0xFFFFE700  }
0xd2: {  	_ =	swait.ge [sflag:s25], $0x1900  }
0xd3: {  	[sflag:s25] =	ssyncset.done $0x0  }
0xd4: {  	[sflag:s25] =	ssyncadd.s32 $0xFFFFE700  }
0xd5: {  	_ =	swait.ge [sflag:s25], $0x1900  }
0xd6: {  	s31 =	sadd.s32 $0x3800, s31;
	[sflag:s25] =	ssyncset.done $0x0  }
0xd7: {  	s30 =	sadd.s32 $0xFFFFE400, s31;
	[sflag:s25] =	ssyncadd.s32 $0xFFFFE700  }
0xd8: {  	[hbm4b:s30+s3] =	stream.linear.scatter [tilespmem:s8], [sflag:$0x3], $0x1900, $0x38;
	[tilespmem:$0x1C800] =	vst v63  }
0xd9: {  	s5 =	sadd.s32 $0xFFFFE780, s31  }
0xda: {  	[hbm4b:s5+s3] =	stream.linear.scatter [tilespmem:s9], [sflag:$0x3], $0x1900, $0x38;
	[tilespmem:$0x1C800] =	vst v63  }
0xdb: {  	s30 =	sadd.s32 $0xFFFFEB00, s31  }
0xdc: {  	[hbm4b:s30+s3] =	stream.linear.scatter [tilespmem:s10], [sflag:$0x3], $0x1900, $0x38;
	[tilespmem:$0x1C800] =	vst v63  }
0xdd: {  	s5 =	sadd.s32 $0xFFFFEE80, s31  }
0xde: {  	[hbm4b:s5+s3] =	stream.linear.scatter [tilespmem:s11], [sflag:$0x3], $0x1900, $0x38;
	[tilespmem:$0x1C800] =	vst v63  }
0xdf: {  	s30 =	sadd.s32 $0xFFFFF200, s31  }
0xe0: {  	[hbm4b:s30+s3] =	stream.linear.scatter [tilespmem:s12], [sflag:$0x3], $0x1900, $0x38;
	[tilespmem:$0x1C800] =	vst v63  }
0xe1: {  	s5 =	sadd.s32 $0xFFFFF580, s31  }
0xe2: {  	[hbm4b:s5+s3] =	stream.linear.scatter [tilespmem:s13], [sflag:$0x3], $0x1900, $0x38;
	[tilespmem:$0x1C800] =	vst v63  }
0xe3: {  	s30 =	sadd.s32 $0xFFFFF900, s31  }
0xe4: {  	[hbm4b:s30+s3] =	stream.linear.scatter [tilespmem:s14], [sflag:$0x3], $0x1900, $0x38;
	[tilespmem:$0x1C800] =	vst v63  }
0xe5: {  	s5 =	sadd.s32 $0xFFFFFC80, s31  }
0xe6: {  	[hbm4b:s5+s3] =	stream.linear.scatter [tilespmem:s15], [sflag:$0x3], $0x1900, $0x38;
	[tilespmem:$0x1C800] =	vst v63  }
0xe7: {  	_ =	swait.ge [sflag:s26], $0x1900  }
0xe8: {  	[sflag:s26] =	ssyncset.done $0x0  }
0xe9: {  	[sflag:s26] =	ssyncadd.s32 $0xFFFFE700  }
0xea: {  	_ =	swait.ge [sflag:s26], $0x1900  }
0xeb: {  	[sflag:s26] =	ssyncset.done $0x0  }
0xec: {  	[sflag:s26] =	ssyncadd.s32 $0xFFFFE700  }
0xed: {  	_ =	swait.ge [sflag:s26], $0x1900  }
0xee: {  	[sflag:s26] =	ssyncset.done $0x0  }
0xef: {  	[sflag:s26] =	ssyncadd.s32 $0xFFFFE700  }
0xf0: {  	_ =	swait.ge [sflag:s26], $0x1900  }
0xf1: {  	[sflag:s26] =	ssyncset.done $0x0  }
0xf2: {  	[sflag:s26] =	ssyncadd.s32 $0xFFFFE700  }
0xf3: {  	_ =	swait.ge [sflag:s26], $0x1900  }
0xf4: {  	[sflag:s26] =	ssyncset.done $0x0  }
0xf5: {  	[sflag:s26] =	ssyncadd.s32 $0xFFFFE700  }
0xf6: {  	_ =	swait.ge [sflag:s26], $0x1900  }
0xf7: {  	[sflag:s26] =	ssyncset.done $0x0  }
0xf8: {  	[sflag:s26] =	ssyncadd.s32 $0xFFFFE700  }
0xf9: {  	_ =	swait.ge [sflag:s26], $0x1900  }
0xfa: {  	[sflag:s26] =	ssyncset.done $0x0  }
0xfb: {  	[sflag:s26] =	ssyncadd.s32 $0xFFFFE700  }
0xfc: {  	_ =	swait.ge [sflag:s26], $0x1900  }
0xfd: {  	[sflag:s26] =	ssyncset.done $0x0  }
0xfe: {  	[sflag:s26] =	ssyncadd.s32 $0xFFFFE700  }
0xff: {  	[hbm4b:s31+s3] =	stream.linear.scatter [tilespmem:s17], [sflag:$0x4], $0x1900, $0x38;
	[tilespmem:$0x1C800] =	vst v63  }
0x100: {  	s30 =	sadd.s32 $0x380, s31  }
0x101: {  	[hbm4b:s30+s3] =	stream.linear.scatter [tilespmem:s18], [sflag:$0x4], $0x1900, $0x38;
	[tilespmem:$0x1C800] =	vst v63  }
0x102: {  	s5 =	sadd.s32 $0x700, s31  }
0x103: {  	[hbm4b:s5+s3] =	stream.linear.scatter [tilespmem:s19], [sflag:$0x4], $0x1900, $0x38;
	[tilespmem:$0x1C800] =	vst v63  }
0x104: {  	s30 =	sadd.s32 $0xA80, s31  }
0x105: {  	[hbm4b:s30+s3] =	stream.linear.scatter [tilespmem:s20], [sflag:$0x4], $0x1900, $0x38;
	[tilespmem:$0x1C800] =	vst v63  }
0x106: {  	s5 =	sadd.s32 $0xE00, s31  }
0x107: {  	[hbm4b:s5+s3] =	stream.linear.scatter [tilespmem:s21], [sflag:$0x4], $0x1900, $0x38;
	[tilespmem:$0x1C800] =	vst v63  }
0x108: {  	s30 =	sadd.s32 $0x1180, s31  }
0x109: {  	[hbm4b:s30+s3] =	stream.linear.scatter [tilespmem:s22], [sflag:$0x4], $0x1900, $0x38;
	[tilespmem:$0x1C800] =	vst v63  }
0x10a: {  	s5 =	sadd.s32 $0x1500, s31  }
0x10b: {  	[hbm4b:s5+s3] =	stream.linear.scatter [tilespmem:s23], [sflag:$0x4], $0x1900, $0x38;
	[tilespmem:$0x1C800] =	vst v63  }
0x10c: {  	p0 =	sne.s32 s1, $0x700;
	s30 =	sadd.s32 $0x1880, s31  }
0x10d: {  	[hbm4b:s30+s3] =	stream.linear.scatter [tilespmem:s24], [sflag:$0x4], $0x1900, $0x38;
	[tilespmem:$0x1C800] =	vst v63  }
.Ltmp0:
0x10e: {  	_ =	swait.ge [sflag:s28], $0xC800;
	(pc) =	sbr.rel @p0 .LBB2_2-.Ltmp0, $4  }
0x10f: {  	[sflag:s28] =	ssyncset.done $0x0  }
0x110: {  	[sflag:s28] =	ssyncadd.s32 $0xFFFF3800  }
0x111: {  	_ =	swait.ge [sflag:s29], $0xC800  }
0x112: {  	s1 =	sadd.s32 $0x100, s1;
	s4 =	rddreg [dreg:$0x4];
	[sflag:s29] =	ssyncset.done $0x0  }
0x113: {  	[sflag:s29] =	ssyncadd.s32 $0xFFFF3800;
	s0 =	sadd.s32 s0, s4  }
0x114: {  	[tilespmem:s3], [sflag:$0x5] =	stream.linear.gather [hbm4b:s0+s3], $0x400, $0x38;
	[tilespmem:$0x1C800] =	vst v63  }
0x115: {  	_ =	swait.ge [sflag:s6], $0x400  }
0x116: {  	[sflag:s6] =	ssyncset.done $0x0  }
0x117: {  	[sflag:s6] =	ssyncadd.s32 $0xFFFFFC00  }
0x118: {  	[tilespmem:s8], [sflag:$0x1] =	stream.indirect.gather [hbm4b:s2+s7], $0x80, s3, s7, $0xb8;
	[tilespmem:$0x1C800] =	vst v63  }
0x119: {  	s1 =	rddreg [dreg:$0x5]  }
0x11a: {  	[tilespmem:s9], [sflag:$0x1] =	stream.indirect.gather [hbm4b:s2+s7], $0x80, s1, s7, $0xb8;
	[tilespmem:$0x1C800] =	vst v63  }
0x11b: {  	s5 =	rddreg [dreg:$0x6]  }
0x11c: {  	[tilespmem:s10], [sflag:$0x1] =	stream.indirect.gather [hbm4b:s2+s7], $0x80, s5, s7, $0xb8;
	[tilespmem:$0x1C800] =	vst v63  }
0x11d: {  	s30 =	rddreg [dreg:$0x7]  }
0x11e: {  	[tilespmem:s11], [sflag:$0x1] =	stream.indirect.gather [hbm4b:s2+s7], $0x80, s30, s7, $0xb8;
	[tilespmem:$0x1C800] =	vst v63  }
0x11f: {  	s5 =	rddreg [dreg:$0x8]  }
0x120: {  	[tilespmem:s12], [sflag:$0x1] =	stream.indirect.gather [hbm4b:s2+s7], $0x80, s5, s7, $0xb8;
	[tilespmem:$0x1C800] =	vst v63  }
0x121: {  	s30 =	rddreg [dreg:$0x9]  }
0x122: {  	[tilespmem:s13], [sflag:$0x1] =	stream.indirect.gather [hbm4b:s2+s7], $0x80, s30, s7, $0xb8;
	[tilespmem:$0x1C800] =	vst v63  }
0x123: {  	s5 =	rddreg [dreg:$0xa]  }
0x124: {  	[tilespmem:s14], [sflag:$0x1] =	stream.indirect.gather [hbm4b:s2+s7], $0x80, s5, s7, $0xb8;
	[tilespmem:$0x1C800] =	vst v63  }
0x125: {  	s30 =	rddreg [dreg:$0xb]  }
0x126: {  	[tilespmem:s15], [sflag:$0x1] =	stream.indirect.gather [hbm4b:s2+s7], $0x80, s30, s7, $0xb8;
	[tilespmem:$0x1C800] =	vst v63  }
0x127: {  	s0 =	sadd.s32 $0x80, s0  }
0x128: {  	[tilespmem:s16], [sflag:$0x5] =	stream.linear.gather [hbm4b:s0+s3], $0x400, $0x38;
	[tilespmem:$0x1C800] =	vst v63  }
0x129: {  	_ =	swait.ge [sflag:s6], $0x400  }
0x12a: {  	[sflag:s6] =	ssyncset.done $0x0  }
0x12b: {  	[sflag:s6] =	ssyncadd.s32 $0xFFFFFC00  }
0x12c: {  	[tilespmem:s17], [sflag:$0x2] =	stream.indirect.gather [hbm4b:s2+s7], $0x80, s16, s7, $0xb8;
	[tilespmem:$0x1C800] =	vst v63  }
0x12d: {  	s1 =	rddreg [dreg:$0xc]  }
0x12e: {  	[tilespmem:s18], [sflag:$0x2] =	stream.indirect.gather [hbm4b:s2+s7], $0x80, s1, s7, $0xb8;
	[tilespmem:$0x1C800] =	vst v63  }
0x12f: {  	s4 =	rddreg [dreg:$0xd]  }
0x130: {  	[tilespmem:s19], [sflag:$0x2] =	stream.indirect.gather [hbm4b:s2+s7], $0x80, s4, s7, $0xb8;
	[tilespmem:$0x1C800] =	vst v63  }
0x131: {  	s5 =	rddreg [dreg:$0xe]  }
0x132: {  	[tilespmem:s20], [sflag:$0x2] =	stream.indirect.gather [hbm4b:s2+s7], $0x80, s5, s7, $0xb8;
	[tilespmem:$0x1C800] =	vst v63  }
0x133: {  	s30 =	rddreg [dreg:$0xf]  }
0x134: {  	[tilespmem:s21], [sflag:$0x2] =	stream.indirect.gather [hbm4b:s2+s7], $0x80, s30, s7, $0xb8;
	[tilespmem:$0x1C800] =	vst v63  }
0x135: {  	s4 =	rddreg [dreg:$0x10]  }
0x136: {  	[tilespmem:s22], [sflag:$0x2] =	stream.indirect.gather [hbm4b:s2+s7], $0x80, s4, s7, $0xb8;
	[tilespmem:$0x1C800] =	vst v63  }
0x137: {  	s5 =	rddreg [dreg:$0x11]  }
0x138: {  	[tilespmem:s23], [sflag:$0x2] =	stream.indirect.gather [hbm4b:s2+s7], $0x80, s5, s7, $0xb8;
	[tilespmem:$0x1C800] =	vst v63  }
0x139: {  	s30 =	rddreg [dreg:$0x12]  }
0x13a: {  	[tilespmem:s24], [sflag:$0x2] =	stream.indirect.gather [hbm4b:s2+s7], $0x80, s30, s7, $0xb8;
	[tilespmem:$0x1C800] =	vst v63  }
0x13b: {  	_ =	swait.ge [sflag:s25], $0x1900  }
0x13c: {  	[sflag:s25] =	ssyncset.done $0x0  }
0x13d: {  	[sflag:s25] =	ssyncadd.s32 $0xFFFFE700  }
0x13e: {  	_ =	swait.ge [sflag:s25], $0x1900  }
0x13f: {  	[sflag:s25] =	ssyncset.done $0x0  }
0x140: {  	[sflag:s25] =	ssyncadd.s32 $0xFFFFE700  }
0x141: {  	_ =	swait.ge [sflag:s25], $0x1900  }
0x142: {  	[sflag:s25] =	ssyncset.done $0x0  }
0x143: {  	[sflag:s25] =	ssyncadd.s32 $0xFFFFE700  }
0x144: {  	_ =	swait.ge [sflag:s25], $0x1900  }
0x145: {  	[sflag:s25] =	ssyncset.done $0x0  }
0x146: {  	[sflag:s25] =	ssyncadd.s32 $0xFFFFE700  }
0x147: {  	_ =	swait.ge [sflag:s25], $0x1900  }
0x148: {  	[sflag:s25] =	ssyncset.done $0x0  }
0x149: {  	[sflag:s25] =	ssyncadd.s32 $0xFFFFE700  }
0x14a: {  	_ =	swait.ge [sflag:s25], $0x1900  }
0x14b: {  	[sflag:s25] =	ssyncset.done $0x0  }
0x14c: {  	[sflag:s25] =	ssyncadd.s32 $0xFFFFE700  }
0x14d: {  	_ =	swait.ge [sflag:s25], $0x1900  }
0x14e: {  	[sflag:s25] =	ssyncset.done $0x0  }
0x14f: {  	[sflag:s25] =	ssyncadd.s32 $0xFFFFE700  }
0x150: {  	_ =	swait.ge [sflag:s25], $0x1900  }
0x151: {  	s0 =	sadd.s32 $0x3800, s31;
	[sflag:s25] =	ssyncset.done $0x0  }
0x152: {  	s4 =	sadd.s32 $0xFFFFE400, s0;
	[sflag:s25] =	ssyncadd.s32 $0xFFFFE700  }
0x153: {  	[hbm4b:s4+s3] =	stream.linear.scatter [tilespmem:s8], [sflag:$0x3], $0x1900, $0x38;
	[tilespmem:$0x1C800] =	vst v63  }
0x154: {  	s5 =	sadd.s32 $0xFFFFE780, s0  }
0x155: {  	[hbm4b:s5+s3] =	stream.linear.scatter [tilespmem:s9], [sflag:$0x3], $0x1900, $0x38;
	[tilespmem:$0x1C800] =	vst v63  }
0x156: {  	s30 =	sadd.s32 $0xFFFFEB00, s0  }
0x157: {  	[hbm4b:s30+s3] =	stream.linear.scatter [tilespmem:s10], [sflag:$0x3], $0x1900, $0x38;
	[tilespmem:$0x1C800] =	vst v63  }
0x158: {  	s31 =	sadd.s32 $0xFFFFEE80, s0  }
0x159: {  	[hbm4b:s31+s3] =	stream.linear.scatter [tilespmem:s11], [sflag:$0x3], $0x1900, $0x38;
	[tilespmem:$0x1C800] =	vst v63  }
0x15a: {  	s4 =	sadd.s32 $0xFFFFF200, s0  }
0x15b: {  	[hbm4b:s4+s3] =	stream.linear.scatter [tilespmem:s12], [sflag:$0x3], $0x1900, $0x38;
	[tilespmem:$0x1C800] =	vst v63  }
0x15c: {  	s5 =	sadd.s32 $0xFFFFF580, s0  }
0x15d: {  	[hbm4b:s5+s3] =	stream.linear.scatter [tilespmem:s13], [sflag:$0x3], $0x1900, $0x38;
	[tilespmem:$0x1C800] =	vst v63  }
0x15e: {  	s30 =	sadd.s32 $0xFFFFF900, s0  }
0x15f: {  	[hbm4b:s30+s3] =	stream.linear.scatter [tilespmem:s14], [sflag:$0x3], $0x1900, $0x38;
	[tilespmem:$0x1C800] =	vst v63  }
0x160: {  	s31 =	sadd.s32 $0xFFFFFC80, s0  }
0x161: {  	[hbm4b:s31+s3] =	stream.linear.scatter [tilespmem:s15], [sflag:$0x3], $0x1900, $0x38;
	[tilespmem:$0x1C800] =	vst v63  }
0x162: {  	_ =	swait.ge [sflag:s26], $0x1900  }
0x163: {  	[sflag:s26] =	ssyncset.done $0x0  }
0x164: {  	[sflag:s26] =	ssyncadd.s32 $0xFFFFE700  }
0x165: {  	_ =	swait.ge [sflag:s26], $0x1900  }
0x166: {  	[sflag:s26] =	ssyncset.done $0x0  }
0x167: {  	[sflag:s26] =	ssyncadd.s32 $0xFFFFE700  }
0x168: {  	_ =	swait.ge [sflag:s26], $0x1900  }
0x169: {  	[sflag:s26] =	ssyncset.done $0x0  }
0x16a: {  	[sflag:s26] =	ssyncadd.s32 $0xFFFFE700  }
0x16b: {  	_ =	swait.ge [sflag:s26], $0x1900  }
0x16c: {  	[sflag:s26] =	ssyncset.done $0x0  }
0x16d: {  	[sflag:s26] =	ssyncadd.s32 $0xFFFFE700  }
0x16e: {  	_ =	swait.ge [sflag:s26], $0x1900  }
0x16f: {  	[sflag:s26] =	ssyncset.done $0x0  }
0x170: {  	[sflag:s26] =	ssyncadd.s32 $0xFFFFE700  }
0x171: {  	_ =	swait.ge [sflag:s26], $0x1900  }
0x172: {  	[sflag:s26] =	ssyncset.done $0x0  }
0x173: {  	[sflag:s26] =	ssyncadd.s32 $0xFFFFE700  }
0x174: {  	_ =	swait.ge [sflag:s26], $0x1900  }
0x175: {  	[sflag:s26] =	ssyncset.done $0x0  }
0x176: {  	[sflag:s26] =	ssyncadd.s32 $0xFFFFE700  }
0x177: {  	_ =	swait.ge [sflag:s26], $0x1900  }
0x178: {  	[sflag:s26] =	ssyncset.done $0x0  }
0x179: {  	[sflag:s26] =	ssyncadd.s32 $0xFFFFE700  }
0x17a: {  	[hbm4b:s0+s3] =	stream.linear.scatter [tilespmem:s17], [sflag:$0x4], $0x1900, $0x38;
	[tilespmem:$0x1C800] =	vst v63  }
0x17b: {  	s4 =	sadd.s32 $0x380, s0  }
0x17c: {  	[hbm4b:s4+s3] =	stream.linear.scatter [tilespmem:s18], [sflag:$0x4], $0x1900, $0x38;
	[tilespmem:$0x1C800] =	vst v63  }
0x17d: {  	s5 =	sadd.s32 $0x700, s0  }
0x17e: {  	[hbm4b:s5+s3] =	stream.linear.scatter [tilespmem:s19], [sflag:$0x4], $0x1900, $0x38;
	[tilespmem:$0x1C800] =	vst v63  }
0x17f: {  	s30 =	sadd.s32 $0xA80, s0  }
0x180: {  	[hbm4b:s30+s3] =	stream.linear.scatter [tilespmem:s20], [sflag:$0x4], $0x1900, $0x38;
	[tilespmem:$0x1C800] =	vst v63  }
0x181: {  	s31 =	sadd.s32 $0xE00, s0  }
0x182: {  	[hbm4b:s31+s3] =	stream.linear.scatter [tilespmem:s21], [sflag:$0x4], $0x1900, $0x38;
	[tilespmem:$0x1C800] =	vst v63  }
0x183: {  	s4 =	sadd.s32 $0x1180, s0  }
0x184: {  	[hbm4b:s4+s3] =	stream.linear.scatter [tilespmem:s22], [sflag:$0x4], $0x1900, $0x38;
	[tilespmem:$0x1C800] =	vst v63  }
0x185: {  	s5 =	sadd.s32 $0x1500, s0  }
0x186: {  	[hbm4b:s5+s3] =	stream.linear.scatter [tilespmem:s23], [sflag:$0x4], $0x1900, $0x38;
	[tilespmem:$0x1C800] =	vst v63  }
0x187: {  	s0 =	sadd.s32 $0x1880, s0  }
0x188: {  	[hbm4b:s0+s3] =	stream.linear.scatter [tilespmem:s24], [sflag:$0x4], $0x1900, $0x38;
	[tilespmem:$0x1C800] =	vst v63  }
0x189: {  	_ =	swait.ge [sflag:s28], $0xC800  }
0x18a: {  	[sflag:s28] =	ssyncset.done $0x0  }
0x18b: {  	[sflag:s28] =	ssyncadd.s32 $0xFFFF3800  }
0x18c: {  	_ =	swait.ge [sflag:s29], $0xC800  }
0x18d: {  	s30 =	rddreg [dreg:$0x15]  }
0x18e: {  	s31 =	rddreg [dreg:$0x13];
	s1 =	sadd.s32 $0x1, s30  }
0x18f: {  	p0 =	sne.s32 s1, s31  }
.Ltmp1:
0x190: {  	_ = 	snop;
	(pc) =	sbr.rel @p0 .LBB2_1-.Ltmp1, $3  }
0x191: {  	_ =	sdelay $0x1  }
0x192: {  	[sflag:s29] =	ssyncset.done $0x0  }
0x193: {  	[sflag:s29] =	ssyncadd.s32 $0xFFFF3800  }
0x194: {  	_ =	sfence.sel $0x180000  }
0x195: {  	[bflag:$0x0] =	sbarrier.arrive $0xFFFF  }
0x196: {  	_ =	strace $0x90000047  }
0x197: {  	s0 =	stileid.u32;
	[bflag:$0x2] =	sbarrier.arrive $0xFFFF  }
0x198: {  	p0 =	sne.s32 s0, $0x0;
	s0 =	rddreg [dreg:$0x3]  }
0x199: {  	s0 =	sadd.s32 @!p0 $0x100000, s0  }
0x19a: {  	[sflag:s0] =	ssyncadd.tile.s32 @!p0 $0x1;
	_ =	shalt  }
.Lfunc_end2:
_tile_overlayer_lowered:
.L_overlay_start_2:
0x19b: {  	(tag) =	ssettag $0x2  }
0x19c: {  	s0 =	rddreg [dreg:$0x0];
	s2 =	stileid.u32  }
0x19d: {  	s1 =	rddreg [dreg:$0x1];
	p0 =	sne.s32 s2, $0x0  }
0x19e: {  	s3 =	rddreg [dreg:$0x2];
	[bflag:$0x3] =	sbarrier.arrive $0xFFFF;
	s2 =	simm.s32 @!p0 $0x1C05  }
0x19f: {  	[timem:s3], [sflag:s2] =	dma.local @!p0 [hbm:s0], s1  }
0x1a0: {  	s0 =	simm.s32 @!p0 $0x5  }
0x1a1: {  	_ =	swait.ge @!p0 [sflag:s0], s1  }
0x1a2: {  	s1 =	ssub.s32 @!p0 $0x0, s1;
	[sflag:s0] =	ssyncset.done @!p0 $0x0  }
0x1a3: {  	[sflag:s0] =	ssyncadd.s32 @!p0 s1  }
0x1a4: {  	[bflag:$0x3] =	sbarrier.arrive $0xFFFF  }
0x1a5: {  	_ =	shalt  }

</sc_bundles>
